<compile_context>
chip_gen: v7x
topology: tpu7x:2x2x1
jax: 0.10.2.dev20260603
libtpu: 0.0.44.dev20260713+nightly
codegen_flags: <defaults>
</compile_context>

<pallas_src>
import functools

import jax
import jax.numpy as jnp
from jax import lax
from jax.experimental import pallas as pl
from jax.experimental.pallas import tpu as pltpu
from jax.experimental.pallas import tpu_sc as plsc

_N = 100000
_H = 1.0 / (_N - 1)
_NE_PAD = _N + 8
_ROWS = 16384
_COLS = 200
_NW = 32
_ROWS_W = _ROWS // _NW
_CHUNK_R = 16
_NCHUNK = _ROWS_W // _CHUNK_R
_NPAIR = _NCHUNK // 2
_L = 16
_COL_OFFS = tuple(range(0, 192, 16)) + (184,)


def _sc_body(inp_hbm, ye_hbm, out_hbm, ye_v,
             in0_v, in1_v, out0_v, out1_v,
             sem_t, sem_i0, sem_i1, sem_o0, sem_o1):
    nc = 2
    wid = lax.axis_index("s") * nc + lax.axis_index("c")
    row0 = wid * _ROWS_W
    hf = jnp.float32(_H)
    epsd = jnp.float32(1e-9 * _H)
    in_bufs = (in0_v, in1_v)
    out_bufs = (out0_v, out1_v)
    sems_i = (sem_i0, sem_i1)
    sems_o = (sem_o0, sem_o1)

    def in_slice(c):
        return inp_hbm.at[pl.ds(row0 + c * _CHUNK_R, _CHUNK_R), :]

    def out_slice(c):
        return out_hbm.at[pl.ds(row0 + c * _CHUNK_R, _CHUNK_R), :]

    pltpu.async_copy(ye_hbm, ye_v, sem_t)
    pltpu.async_copy(in_slice(0), in0_v, sem_i0)
    pltpu.async_copy(in_slice(1), in1_v, sem_i1)
    pltpu.make_async_copy(ye_hbm, ye_v, sem_t).wait()

    def one_vreg(x):
        pos = x / hf
        idx = jnp.minimum(jnp.maximum(pos.astype(jnp.int32), 0), _N - 2)
        s = pos - idx.astype(jnp.float32)
        g0 = plsc.load_gather(ye_v, [idx])
        g1 = plsc.load_gather(ye_v, [idx + 1])
        g2 = plsc.load_gather(ye_v, [idx + 2])
        g3 = plsc.load_gather(ye_v, [idx + 3])
        g4 = plsc.load_gather(ye_v, [idx + 4])
        g5 = plsc.load_gather(ye_v, [idx + 5])
        d0 = g1 - g0
        d1 = g2 - g1
        d2 = g3 - g2
        d3 = g4 - g3
        d4 = g5 - g4
        one = jnp.float32(1.0)
        w10 = jnp.abs(d3 - d2)
        w20 = jnp.abs(d1 - d0)
        p0 = (w10 + w20) > epsd
        w10 = jnp.where(p0, w10, one)
        w20 = jnp.where(p0, w20, one)
        t0h = (w10 * d1 + w20 * d2) / (w10 + w20)
        w11 = jnp.abs(d4 - d3)
        w21 = jnp.abs(d2 - d1)
        p1 = (w11 + w21) > epsd
        w11 = jnp.where(p1, w11, one)
        w21 = jnp.where(p1, w21, one)
        t1h = (w11 * d2 + w21 * d3) / (w11 + w21)
        c3 = (t0h + t1h) - (d2 + d2)
        c2 = (jnp.float32(3.0) * d2 - (t0h + t0h)) - t1h
        return g2 + s * (t0h + s * (c2 + s * c3))

    def compute(in_v, out_v):
        nvec_row = len(_COL_OFFS)

        @plsc.parallel_loop(0, _CHUNK_R * nvec_row, unroll=2)
        def vec_body(j):
            r = j // nvec_row
            col = jnp.minimum((j - r * nvec_row) * _L, _COLS - _L)
            out_v[r, pl.ds(col, _L)] = one_vreg(in_v[r, pl.ds(col, _L)])

    def pair_body(i, carry):
        for b in range(2):
            c = 2 * i + b
            pltpu.make_async_copy(in_slice(c), in_bufs[b], sems_i[b]).wait()

            @pl.when(i > 0)
            def _drain():
                pltpu.make_async_copy(
                    out_bufs[b], out_slice(c - 2), sems_o[b]).wait()

            compute(in_bufs[b], out_bufs[b])

            @pl.when(i < _NPAIR - 1)
            def _prefetch():
                pltpu.async_copy(in_slice(c + 2), in_bufs[b], sems_i[b])

            pltpu.async_copy(out_bufs[b], out_slice(c), sems_o[b])
        return carry

    lax.fori_loop(0, _NPAIR, pair_body, 0)

    for b in range(2):
        c = _NCHUNK - 2 + b
        pltpu.make_async_copy(out_bufs[b], out_slice(c), sems_o[b]).wait()


_sc_interp = functools.partial(
    pl.kernel,
    out_type=jax.ShapeDtypeStruct((_ROWS, _COLS), jnp.float32),
    mesh=plsc.VectorSubcoreMesh(core_axis_name="c", subcore_axis_name="s"),
    compiler_params=pltpu.CompilerParams(needs_layout_passes=False),
    scratch_types=[
        pltpu.VMEM((_NE_PAD,), jnp.float32),
        pltpu.VMEM((_CHUNK_R, _COLS), jnp.float32),
        pltpu.VMEM((_CHUNK_R, _COLS), jnp.float32),
        pltpu.VMEM((_CHUNK_R, _COLS), jnp.float32),
        pltpu.VMEM((_CHUNK_R, _COLS), jnp.float32),
        pltpu.SemaphoreType.DMA,
        pltpu.SemaphoreType.DMA,
        pltpu.SemaphoreType.DMA,
        pltpu.SemaphoreType.DMA,
        pltpu.SemaphoreType.DMA,
    ],
)(_sc_body)


def kernel(input, value):
    y = value
    h = _H
    m_a = (y[1] - y[0]) / h
    m_b = (y[2] - y[1]) / h
    mm1 = 2.0 * m_a - m_b
    mm2 = 2.0 * mm1 - m_a
    m_y = (y[-1] - y[-2]) / h
    m_x = (y[-2] - y[-3]) / h
    mp1 = 2.0 * m_y - m_x
    mp2 = 2.0 * mp1 - m_y
    ym1 = y[0] - h * mm1
    ym2 = ym1 - h * mm2
    yp1 = y[-1] + h * mp1
    yp2 = yp1 + h * mp2
    ye = jnp.concatenate([
        jnp.stack([ym2, ym1]),
        y,
        jnp.stack([yp1, yp2]),
        jnp.zeros((4,), jnp.float32),
    ])
    return _sc_interp(input, ye)

# --- scband reference (transcript-rebuilt; emitter-appended) ---
"""Pipeline reference for scband-linear-31181462569198 (READ-ONLY COPY).

The authoritative reference and input builder live on the scoring server;
editing this copy changes nothing except your own understanding.
"""

import jax, jax.numpy as jnp
import numpy as np

NODES = 100000
DOMAIN = (0.0, 1.0)


def _akima(u, y, domain):
    d0, d1 = domain
    n = y.shape[0]
    h = (d1 - d0) / (n - 1)
    # interval slopes
    m = (y[1:] - y[:-1]) / h  # [n-1]
    # Akima boundary extension (two virtual slopes on each side)
    mm1 = 2.0 * m[0] - m[1]
    mm2 = 2.0 * mm1 - m[0]
    mp1 = 2.0 * m[-1] - m[-2]
    mp2 = 2.0 * mp1 - m[-1]
    me = jnp.concatenate([jnp.stack([mm2, mm1]), m, jnp.stack([mp1, mp2])])  # [n+3]
    # Akima derivative at each node
    w1 = jnp.abs(me[3:] - me[2:-1])   # [n]
    w2 = jnp.abs(me[1:-2] - me[:-3])  # [n]
    den = w1 + w2
    eps = 1e-9
    safe_den = jnp.where(den > eps, den, 1.0)
    t = jnp.where(den > eps,
                  (w1 * me[1:-2] + w2 * me[2:-1]) / safe_den,
                  0.5 * (me[1:-2] + me[2:-1]))  # [n]
    # locate interval for each query (gather-heavy)
    uc = jnp.clip(u, d0, d1)
    pos = (uc - d0) / h
    idx = jnp.clip(jnp.floor(pos).astype(jnp.int32), 0, n - 2)
    s = jnp.clip(pos - idx.astype(jnp.float32), 0.0, 1.0)
    y0 = jnp.take(y, idx)
    y1 = jnp.take(y, idx + 1)
    t0 = jnp.take(t, idx)
    t1 = jnp.take(t, idx + 1)
    # cubic Hermite basis on the local interval
    s2 = s * s
    s3 = s2 * s
    h00 = 2.0 * s3 - 3.0 * s2 + 1.0
    h10 = s3 - 2.0 * s2 + s
    h01 = -2.0 * s3 + 3.0 * s2
    h11 = s3 - s2
    return h00 * y0 + h10 * (h * t0) + h01 * y1 + h11 * (h * t1)


def setup_inputs(seed: int = 0) -> dict:
    key = jax.random.key(seed)
    inp = jax.random.uniform(jax.random.fold_in(key, 0), (16384, 200), dtype=jnp.float32)
    # learned parameter: node values initialized as linspace over the domain
    value = jnp.linspace(DOMAIN[0], DOMAIN[1], NODES, dtype=jnp.float32)
    return {"input": inp, "value": value}


def reference(input, value):
    return _akima(input, value, DOMAIN)

if __name__ == "__main__":
    import jax
    _d = setup_inputs()
    print(jax.jit(kernel)(*tuple(_d.values())))

</pallas_src>

<mosaic_0001>
#map = affine_map<(d0, d1) -> (0, 0)>
#map1 = affine_map<(d0, d1) -> (0)>
module attributes {stable_mosaic.version = 14 : i64} {
  func.func @_sc_body(%arg0: i32, %arg1: i32, %arg2: memref<16384x200xf32, #tpu.memory_space<hbm>>, %arg3: memref<100008xf32, #tpu.memory_space<hbm>>, %arg4: memref<16384x200xf32, #tpu.memory_space<hbm>>, %arg5: memref<100008xf32, #tpu.memory_space<vmem>>, %arg6: memref<16x200xf32, #tpu.memory_space<vmem>>, %arg7: memref<16x200xf32, #tpu.memory_space<vmem>>, %arg8: memref<16x200xf32, #tpu.memory_space<vmem>>, %arg9: memref<16x200xf32, #tpu.memory_space<vmem>>, %arg10: memref<!tpu.dma_semaphore, #tpu.memory_space<semaphore_mem>>, %arg11: memref<!tpu.dma_semaphore, #tpu.memory_space<semaphore_mem>>, %arg12: memref<!tpu.dma_semaphore, #tpu.memory_space<semaphore_mem>>, %arg13: memref<!tpu.dma_semaphore, #tpu.memory_space<semaphore_mem>>, %arg14: memref<!tpu.dma_semaphore, #tpu.memory_space<semaphore_mem>>) attributes {dimension_semantics = [#tpu.dimension_semantics<core_parallel>, #tpu.dimension_semantics<subcore_parallel>], iteration_bounds = array<i64: 2, 16>, scalar_prefetch = 0 : i64, scratch_operands = 10 : i64, tpu.core_type = #tpu.core_type<sc_vector_subcore>, window_params = [{transform_indices = #map}, {transform_indices = #map1}, {transform_indices = #map}]} {
    %mul3A = arith.constant 2 : i32
    %mul3A_0 = arith.muli %arg1, %mul3A : i32
    %add3A = arith.addi %mul3A_0, %arg0 : i32
    %mul3A_1 = arith.constant 512 : i32
    %mul3A_2 = arith.muli %add3A, %mul3A_1 : i32
    tpu.enqueue_dma source(%arg3 : memref<100008xf32, #tpu.memory_space<hbm>>) target(%arg5 : memref<100008xf32, #tpu.memory_space<vmem>>) target_semaphore(%arg10 : memref<!tpu.dma_semaphore, #tpu.memory_space<semaphore_mem>>)
    %add3A_3 = arith.constant 0 : i32
    %add3A_4 = arith.addi %mul3A_2, %add3A_3 : i32
    %dma_start3A = arith.constant 0 : i32
    %dma_start3A_5 = tpu.memref_slice %arg2[%add3A_4, %dma_start3A] : memref<16384x200xf32, #tpu.memory_space<hbm>> -> memref<16x200xf32, #tpu.memory_space<hbm>>
    %dma_start3A_6 = arith.constant 0 : i32
    %dma_start3A_7 = tpu.memref_slice %arg2[%add3A_4, %dma_start3A_6] : memref<16384x200xf32, #tpu.memory_space<hbm>> -> memref<16x200xf32, #tpu.memory_space<hbm>>
    tpu.enqueue_dma source(%dma_start3A_7 : memref<16x200xf32, #tpu.memory_space<hbm>>) target(%arg6 : memref<16x200xf32, #tpu.memory_space<vmem>>) target_semaphore(%arg11 : memref<!tpu.dma_semaphore, #tpu.memory_space<semaphore_mem>>)
    %add3A_8 = arith.constant 16 : i32
    %add3A_9 = arith.addi %mul3A_2, %add3A_8 : i32
    %dma_start3A_10 = arith.constant 0 : i32
    %dma_start3A_11 = tpu.memref_slice %arg2[%add3A_9, %dma_start3A_10] : memref<16384x200xf32, #tpu.memory_space<hbm>> -> memref<16x200xf32, #tpu.memory_space<hbm>>
    %dma_start3A_12 = arith.constant 0 : i32
    %dma_start3A_13 = tpu.memref_slice %arg2[%add3A_9, %dma_start3A_12] : memref<16384x200xf32, #tpu.memory_space<hbm>> -> memref<16x200xf32, #tpu.memory_space<hbm>>
    tpu.enqueue_dma source(%dma_start3A_13 : memref<16x200xf32, #tpu.memory_space<hbm>>) target(%arg7 : memref<16x200xf32, #tpu.memory_space<vmem>>) target_semaphore(%arg12 : memref<!tpu.dma_semaphore, #tpu.memory_space<semaphore_mem>>)
    tpu.wait_dma2 semaphore(%arg10 : memref<!tpu.dma_semaphore, #tpu.memory_space<semaphore_mem>>) src(%arg3 : memref<100008xf32, #tpu.memory_space<hbm>>) dst(%arg5 : memref<100008xf32, #tpu.memory_space<vmem>>)
    %scan3A = arith.constant 0 : i32
    %scan3A_14 = arith.constant 1.000010e-05 : f32
    %scan3A_15 = arith.constant 1.000010e-14 : f32
    %scan3A_16 = arith.constant 0 : i32
    %scan3A_17 = arith.constant 16 : i32
    %scan3A_18 = arith.addi %scan3A_16, %scan3A_17 : i32
    %scan3A_19 = arith.constant 1 : i32
    scf.for %scan3A_32 = %scan3A_16 to %scan3A_18 step %scan3A_19  : i32 {
      %mul3A_33 = arith.constant 2 : i32
      %mul3A_34 = arith.muli %mul3A_33, %scan3A_32 : i32
      %add3A_35 = arith.constant 0 : i32
      %add3A_36 = arith.addi %mul3A_34, %add3A_35 : i32
      %mul3A_37 = arith.constant 16 : i32
      %mul3A_38 = arith.muli %add3A_36, %mul3A_37 : i32
      %add3A_39 = arith.addi %mul3A_2, %mul3A_38 : i32
      %dma_wait3A_40 = arith.constant 0 : i32
      %dma_wait3A_41 = tpu.memref_slice %arg2[%add3A_39, %dma_wait3A_40] : memref<16384x200xf32, #tpu.memory_space<hbm>> -> memref<16x200xf32, #tpu.memory_space<hbm>>
      %dma_wait3A_42 = arith.constant 0 : i32
      %dma_wait3A_43 = tpu.memref_slice %arg2[%add3A_39, %dma_wait3A_42] : memref<16384x200xf32, #tpu.memory_space<hbm>> -> memref<16x200xf32, #tpu.memory_space<hbm>>
      tpu.wait_dma2 semaphore(%arg11 : memref<!tpu.dma_semaphore, #tpu.memory_space<semaphore_mem>>) src(%dma_wait3A_43 : memref<16x200xf32, #tpu.memory_space<hbm>>) dst(%arg6 : memref<16x200xf32, #tpu.memory_space<vmem>>)
      %gt3A = arith.constant 0 : i32
      %gt3A_44 = arith.cmpi sgt, %scan3A_32, %gt3A : i32
      %convert_element_type3A = arith.extui %gt3A_44 : i1 to i32
      %cond3A = arith.constant 0 : i32
      %cond3A_45 = arith.cmpi ne, %convert_element_type3A, %cond3A : i32
      scf.if %cond3A_45 {
        %sub3A = arith.constant 2 : i32
        %sub3A_90 = arith.subi %add3A_36, %sub3A : i32
        %mul3A_91 = arith.constant 16 : i32
        %mul3A_92 = arith.muli %sub3A_90, %mul3A_91 : i32
        %add3A_93 = arith.addi %mul3A_2, %mul3A_92 : i32
        %dma_wait3A_94 = arith.constant 0 : i32
        %dma_wait3A_95 = tpu.memref_slice %arg4[%add3A_93, %dma_wait3A_94] : memref<16384x200xf32, #tpu.memory_space<hbm>> -> memref<16x200xf32, #tpu.memory_space<hbm>>
        %dma_wait3A_96 = arith.constant 0 : i32
        %dma_wait3A_97 = tpu.memref_slice %arg4[%add3A_93, %dma_wait3A_96] : memref<16384x200xf32, #tpu.memory_space<hbm>> -> memref<16x200xf32, #tpu.memory_space<hbm>>
        tpu.wait_dma2 semaphore(%arg13 : memref<!tpu.dma_semaphore, #tpu.memory_space<semaphore_mem>>) src(%arg8 : memref<16x200xf32, #tpu.memory_space<vmem>>) dst(%dma_wait3A_97 : memref<16x200xf32, #tpu.memory_space<hbm>>)
      } else {
      }
      %parallel_loop3A = arith.constant 0 : i32
      %parallel_loop3A_46 = arith.constant 208 : i32
      %parallel_loop3A_47 = arith.constant 1 : i32
      scf.for %parallel_loop3A_90 = %parallel_loop3A to %parallel_loop3A_46 step %parallel_loop3A_47  : i32 {
        %parallel_loop3A_91 = arith.constant 13 : i32
        %parallel_loop3A_92 = arith.divsi %parallel_loop3A_90, %parallel_loop3A_91 : i32
        %parallel_loop3A_93 = arith.constant 0 : i32
        %parallel_loop3A_94 = arith.cmpi sgt, %parallel_loop3A_90, %parallel_loop3A_93 : i32
        %parallel_loop3A_95 = arith.extui %parallel_loop3A_94 : i1 to i32
        %parallel_loop3A_96 = arith.constant 0 : i32
        %parallel_loop3A_97 = arith.cmpi slt, %parallel_loop3A_90, %parallel_loop3A_96 : i32
        %parallel_loop3A_98 = arith.extui %parallel_loop3A_97 : i1 to i32
        %parallel_loop3A_99 = arith.subi %parallel_loop3A_95, %parallel_loop3A_98 : i32
        %parallel_loop3A_100 = arith.constant 0 : i32
        %parallel_loop3A_101 = arith.cmpi sgt, %parallel_loop3A_91, %parallel_loop3A_100 : i32
        %parallel_loop3A_102 = arith.extui %parallel_loop3A_101 : i1 to i32
        %parallel_loop3A_103 = arith.constant 0 : i32
        %parallel_loop3A_104 = arith.cmpi slt, %parallel_loop3A_91, %parallel_loop3A_103 : i32
        %parallel_loop3A_105 = arith.extui %parallel_loop3A_104 : i1 to i32
        %parallel_loop3A_106 = arith.subi %parallel_loop3A_102, %parallel_loop3A_105 : i32
        %parallel_loop3A_107 = arith.cmpi ne, %parallel_loop3A_99, %parallel_loop3A_106 : i32
        %parallel_loop3A_108 = arith.remsi %parallel_loop3A_90, %parallel_loop3A_91 : i32
        %parallel_loop3A_109 = arith.constant 0 : i32
        %parallel_loop3A_110 = arith.cmpi ne, %parallel_loop3A_108, %parallel_loop3A_109 : i32
        %parallel_loop3A_111 = arith.andi %parallel_loop3A_107, %parallel_loop3A_110 : i1
        %parallel_loop3A_112 = arith.constant 1 : i32
        %parallel_loop3A_113 = arith.subi %parallel_loop3A_92, %parallel_loop3A_112 : i32
        %parallel_loop3A_114 = arith.select %parallel_loop3A_111, %parallel_loop3A_113, %parallel_loop3A_92 : i32
        %parallel_loop3A_115 = arith.constant 13 : i32
        %parallel_loop3A_116 = arith.muli %parallel_loop3A_114, %parallel_loop3A_115 : i32
        %parallel_loop3A_117 = arith.subi %parallel_loop3A_90, %parallel_loop3A_116 : i32
        %parallel_loop3A_118 = arith.constant 16 : i32
        %parallel_loop3A_119 = arith.muli %parallel_loop3A_117, %parallel_loop3A_118 : i32
        %parallel_loop3A_120 = arith.constant 184 : i32
        %parallel_loop3A_121 = arith.minsi %parallel_loop3A_119, %parallel_loop3A_120 : i32
        %parallel_loop3A_122 = arith.index_cast %parallel_loop3A_114 : i32 to index
        %parallel_loop3A_123 = arith.index_cast %parallel_loop3A_121 : i32 to index
        %parallel_loop3A_124 = tpu.vector_load %arg6[%parallel_loop3A_122, %parallel_loop3A_123] {strides = array<i32>} : memref<16x200xf32, #tpu.memory_space<vmem>>, vector<16xf32>,
        %parallel_loop3A_125 = vector.broadcast %scan3A_14 : f32 to vector<16xf32>
        %parallel_loop3A_126 = arith.divf %parallel_loop3A_124, %parallel_loop3A_125 : vector<16xf32>
        %parallel_loop3A_127 = arith.fptosi %parallel_loop3A_126 : vector<16xf32> to vector<16xi32>
        %parallel_loop3A_128 = arith.constant 0 : i32
        %parallel_loop3A_129 = vector.broadcast %parallel_loop3A_128 : i32 to vector<16xi32>
        %parallel_loop3A_130 = arith.maxsi %parallel_loop3A_127, %parallel_loop3A_129 : vector<16xi32>
        %parallel_loop3A_131 = arith.constant 99998 : i32
        %parallel_loop3A_132 = vector.broadcast %parallel_loop3A_131 : i32 to vector<16xi32>
        %parallel_loop3A_133 = arith.minsi %parallel_loop3A_130, %parallel_loop3A_132 : vector<16xi32>
        %parallel_loop3A_134 = arith.sitofp %parallel_loop3A_133 : vector<16xi32> to vector<16xf32>
        %parallel_loop3A_135 = arith.subf %parallel_loop3A_126, %parallel_loop3A_134 : vector<16xf32>
        %parallel_loop3A_136 = tpu.vector_load_idx %arg5[%parallel_loop3A_133] : memref<100008xf32, #tpu.memory_space<vmem>>[vector<16xi32>], vector<16xf32>,
        %parallel_loop3A_137 = arith.constant 1 : i32
        %parallel_loop3A_138 = vector.broadcast %parallel_loop3A_137 : i32 to vector<16xi32>
        %parallel_loop3A_139 = arith.addi %parallel_loop3A_133, %parallel_loop3A_138 : vector<16xi32>
        %parallel_loop3A_140 = tpu.vector_load_idx %arg5[%parallel_loop3A_139] : memref<100008xf32, #tpu.memory_space<vmem>>[vector<16xi32>], vector<16xf32>,
        %parallel_loop3A_141 = arith.constant 2 : i32
        %parallel_loop3A_142 = vector.broadcast %parallel_loop3A_141 : i32 to vector<16xi32>
        %parallel_loop3A_143 = arith.addi %parallel_loop3A_133, %parallel_loop3A_142 : vector<16xi32>
        %parallel_loop3A_144 = tpu.vector_load_idx %arg5[%parallel_loop3A_143] : memref<100008xf32, #tpu.memory_space<vmem>>[vector<16xi32>], vector<16xf32>,
        %parallel_loop3A_145 = arith.constant 3 : i32
        %parallel_loop3A_146 = vector.broadcast %parallel_loop3A_145 : i32 to vector<16xi32>
        %parallel_loop3A_147 = arith.addi %parallel_loop3A_133, %parallel_loop3A_146 : vector<16xi32>
        %parallel_loop3A_148 = tpu.vector_load_idx %arg5[%parallel_loop3A_147] : memref<100008xf32, #tpu.memory_space<vmem>>[vector<16xi32>], vector<16xf32>,
        %parallel_loop3A_149 = arith.constant 4 : i32
        %parallel_loop3A_150 = vector.broadcast %parallel_loop3A_149 : i32 to vector<16xi32>
        %parallel_loop3A_151 = arith.addi %parallel_loop3A_133, %parallel_loop3A_150 : vector<16xi32>
        %parallel_loop3A_152 = tpu.vector_load_idx %arg5[%parallel_loop3A_151] : memref<100008xf32, #tpu.memory_space<vmem>>[vector<16xi32>], vector<16xf32>,
        %parallel_loop3A_153 = arith.constant 5 : i32
        %parallel_loop3A_154 = vector.broadcast %parallel_loop3A_153 : i32 to vector<16xi32>
        %parallel_loop3A_155 = arith.addi %parallel_loop3A_133, %parallel_loop3A_154 : vector<16xi32>
        %parallel_loop3A_156 = tpu.vector_load_idx %arg5[%parallel_loop3A_155] : memref<100008xf32, #tpu.memory_space<vmem>>[vector<16xi32>], vector<16xf32>,
        %parallel_loop3A_157 = arith.subf %parallel_loop3A_140, %parallel_loop3A_136 : vector<16xf32>
        %parallel_loop3A_158 = arith.subf %parallel_loop3A_144, %parallel_loop3A_140 : vector<16xf32>
        %parallel_loop3A_159 = arith.subf %parallel_loop3A_148, %parallel_loop3A_144 : vector<16xf32>
        %parallel_loop3A_160 = arith.subf %parallel_loop3A_152, %parallel_loop3A_148 : vector<16xf32>
        %parallel_loop3A_161 = arith.subf %parallel_loop3A_156, %parallel_loop3A_152 : vector<16xf32>
        %parallel_loop3A_162 = arith.subf %parallel_loop3A_160, %parallel_loop3A_159 : vector<16xf32>
        %parallel_loop3A_163 = math.absf %parallel_loop3A_162 : vector<16xf32>
        %parallel_loop3A_164 = arith.subf %parallel_loop3A_158, %parallel_loop3A_157 : vector<16xf32>
        %parallel_loop3A_165 = math.absf %parallel_loop3A_164 : vector<16xf32>
        %parallel_loop3A_166 = arith.addf %parallel_loop3A_163, %parallel_loop3A_165 : vector<16xf32>
        %parallel_loop3A_167 = vector.broadcast %scan3A_15 : f32 to vector<16xf32>
        %parallel_loop3A_168 = arith.cmpf ogt, %parallel_loop3A_166, %parallel_loop3A_167 : vector<16xf32>
        %parallel_loop3A_169 = arith.constant 1.000000e+00 : f32
        %parallel_loop3A_170 = vector.broadcast %parallel_loop3A_169 : f32 to vector<16xf32>
        %parallel_loop3A_171 = arith.select %parallel_loop3A_168, %parallel_loop3A_163, %parallel_loop3A_170 : vector<16xi1>, vector<16xf32>
        %parallel_loop3A_172 = arith.constant 1.000000e+00 : f32
        %parallel_loop3A_173 = vector.broadcast %parallel_loop3A_172 : f32 to vector<16xf32>
        %parallel_loop3A_174 = arith.select %parallel_loop3A_168, %parallel_loop3A_165, %parallel_loop3A_173 : vector<16xi1>, vector<16xf32>
        %parallel_loop3A_175 = arith.mulf %parallel_loop3A_171, %parallel_loop3A_158 : vector<16xf32>
        %parallel_loop3A_176 = arith.mulf %parallel_loop3A_174, %parallel_loop3A_159 : vector<16xf32>
        %parallel_loop3A_177 = arith.addf %parallel_loop3A_175, %parallel_loop3A_176 : vector<16xf32>
        %parallel_loop3A_178 = arith.addf %parallel_loop3A_171, %parallel_loop3A_174 : vector<16xf32>
        %parallel_loop3A_179 = arith.divf %parallel_loop3A_177, %parallel_loop3A_178 : vector<16xf32>
        %parallel_loop3A_180 = arith.subf %parallel_loop3A_161, %parallel_loop3A_160 : vector<16xf32>
        %parallel_loop3A_181 = math.absf %parallel_loop3A_180 : vector<16xf32>
        %parallel_loop3A_182 = arith.subf %parallel_loop3A_159, %parallel_loop3A_158 : vector<16xf32>
        %parallel_loop3A_183 = math.absf %parallel_loop3A_182 : vector<16xf32>
        %parallel_loop3A_184 = arith.addf %parallel_loop3A_181, %parallel_loop3A_183 : vector<16xf32>
        %parallel_loop3A_185 = vector.broadcast %scan3A_15 : f32 to vector<16xf32>
        %parallel_loop3A_186 = arith.cmpf ogt, %parallel_loop3A_184, %parallel_loop3A_185 : vector<16xf32>
        %parallel_loop3A_187 = arith.constant 1.000000e+00 : f32
        %parallel_loop3A_188 = vector.broadcast %parallel_loop3A_187 : f32 to vector<16xf32>
        %parallel_loop3A_189 = arith.select %parallel_loop3A_186, %parallel_loop3A_181, %parallel_loop3A_188 : vector<16xi1>, vector<16xf32>
        %parallel_loop3A_190 = arith.constant 1.000000e+00 : f32
        %parallel_loop3A_191 = vector.broadcast %parallel_loop3A_190 : f32 to vector<16xf32>
        %parallel_loop3A_192 = arith.select %parallel_loop3A_186, %parallel_loop3A_183, %parallel_loop3A_191 : vector<16xi1>, vector<16xf32>
        %parallel_loop3A_193 = arith.mulf %parallel_loop3A_189, %parallel_loop3A_159 : vector<16xf32>
        %parallel_loop3A_194 = arith.mulf %parallel_loop3A_192, %parallel_loop3A_160 : vector<16xf32>
        %parallel_loop3A_195 = arith.addf %parallel_loop3A_193, %parallel_loop3A_194 : vector<16xf32>
        %parallel_loop3A_196 = arith.addf %parallel_loop3A_189, %parallel_loop3A_192 : vector<16xf32>
        %parallel_loop3A_197 = arith.divf %parallel_loop3A_195, %parallel_loop3A_196 : vector<16xf32>
        %parallel_loop3A_198 = arith.addf %parallel_loop3A_179, %parallel_loop3A_197 : vector<16xf32>
        %parallel_loop3A_199 = arith.addf %parallel_loop3A_159, %parallel_loop3A_159 : vector<16xf32>
        %parallel_loop3A_200 = arith.subf %parallel_loop3A_198, %parallel_loop3A_199 : vector<16xf32>
        %parallel_loop3A_201 = arith.constant 3.000000e+00 : f32
        %parallel_loop3A_202 = vector.broadcast %parallel_loop3A_201 : f32 to vector<16xf32>
        %parallel_loop3A_203 = arith.mulf %parallel_loop3A_202, %parallel_loop3A_159 : vector<16xf32>
        %parallel_loop3A_204 = arith.addf %parallel_loop3A_179, %parallel_loop3A_179 : vector<16xf32>
        %parallel_loop3A_205 = arith.subf %parallel_loop3A_203, %parallel_loop3A_204 : vector<16xf32>
        %parallel_loop3A_206 = arith.subf %parallel_loop3A_205, %parallel_loop3A_197 : vector<16xf32>
        %parallel_loop3A_207 = arith.mulf %parallel_loop3A_135, %parallel_loop3A_200 : vector<16xf32>
        %parallel_loop3A_208 = arith.addf %parallel_loop3A_206, %parallel_loop3A_207 : vector<16xf32>
        %parallel_loop3A_209 = arith.mulf %parallel_loop3A_135, %parallel_loop3A_208 : vector<16xf32>
        %parallel_loop3A_210 = arith.addf %parallel_loop3A_179, %parallel_loop3A_209 : vector<16xf32>
        %parallel_loop3A_211 = arith.mulf %parallel_loop3A_135, %parallel_loop3A_210 : vector<16xf32>
        %parallel_loop3A_212 = arith.addf %parallel_loop3A_144, %parallel_loop3A_211 : vector<16xf32>
        %parallel_loop3A_213 = arith.index_cast %parallel_loop3A_114 : i32 to index
        %parallel_loop3A_214 = arith.index_cast %parallel_loop3A_121 : i32 to index
        %parallel_loop3A_215 = tpu.vector_load %arg8[%parallel_loop3A_213, %parallel_loop3A_214] {strides = array<i32>} : memref<16x200xf32, #tpu.memory_space<vmem>>, vector<16xf32>,
        tpu.vector_store %arg8[%parallel_loop3A_213, %parallel_loop3A_214], %parallel_loop3A_212 {strides = array<i32>} : memref<16x200xf32, #tpu.memory_space<vmem>>, vector<16xf32>,
      } {sc.loop_unroll_factor = 2 : i64, sc.parallel_access}
      %lt3A = arith.constant 15 : i32
      %lt3A_48 = arith.cmpi slt, %scan3A_32, %lt3A : i32
      %convert_element_type3A_49 = arith.extui %lt3A_48 : i1 to i32
      %cond3A_50 = arith.constant 0 : i32
      %cond3A_51 = arith.cmpi ne, %convert_element_type3A_49, %cond3A_50 : i32
      scf.if %cond3A_51 {
        %add3A_90 = arith.constant 2 : i32
        %add3A_91 = arith.addi %add3A_36, %add3A_90 : i32
        %mul3A_92 = arith.constant 16 : i32
        %mul3A_93 = arith.muli %add3A_91, %mul3A_92 : i32
        %add3A_94 = arith.addi %mul3A_2, %mul3A_93 : i32
        %dma_start3A_95 = arith.constant 0 : i32
        %dma_start3A_96 = tpu.memref_slice %arg2[%add3A_94, %dma_start3A_95] : memref<16384x200xf32, #tpu.memory_space<hbm>> -> memref<16x200xf32, #tpu.memory_space<hbm>>
        %dma_start3A_97 = arith.constant 0 : i32
        %dma_start3A_98 = tpu.memref_slice %arg2[%add3A_94, %dma_start3A_97] : memref<16384x200xf32, #tpu.memory_space<hbm>> -> memref<16x200xf32, #tpu.memory_space<hbm>>
        tpu.enqueue_dma source(%dma_start3A_98 : memref<16x200xf32, #tpu.memory_space<hbm>>) target(%arg6 : memref<16x200xf32, #tpu.memory_space<vmem>>) target_semaphore(%arg11 : memref<!tpu.dma_semaphore, #tpu.memory_space<semaphore_mem>>)
      } else {
      }
      %mul3A_52 = arith.constant 16 : i32
      %mul3A_53 = arith.muli %add3A_36, %mul3A_52 : i32
      %add3A_54 = arith.addi %mul3A_2, %mul3A_53 : i32
      %dma_start3A_55 = arith.constant 0 : i32
      %dma_start3A_56 = tpu.memref_slice %arg4[%add3A_54, %dma_start3A_55] : memref<16384x200xf32, #tpu.memory_space<hbm>> -> memref<16x200xf32, #tpu.memory_space<hbm>>
      %dma_start3A_57 = arith.constant 0 : i32
      %dma_start3A_58 = tpu.memref_slice %arg4[%add3A_54, %dma_start3A_57] : memref<16384x200xf32, #tpu.memory_space<hbm>> -> memref<16x200xf32, #tpu.memory_space<hbm>>
      tpu.enqueue_dma source(%arg8 : memref<16x200xf32, #tpu.memory_space<vmem>>) target(%dma_start3A_58 : memref<16x200xf32, #tpu.memory_space<hbm>>) target_semaphore(%arg13 : memref<!tpu.dma_semaphore, #tpu.memory_space<semaphore_mem>>)
      %mul3A_59 = arith.constant 2 : i32
      %mul3A_60 = arith.muli %mul3A_59, %scan3A_32 : i32
      %add3A_61 = arith.constant 1 : i32
      %add3A_62 = arith.addi %mul3A_60, %add3A_61 : i32
      %mul3A_63 = arith.constant 16 : i32
      %mul3A_64 = arith.muli %add3A_62, %mul3A_63 : i32
      %add3A_65 = arith.addi %mul3A_2, %mul3A_64 : i32
      %dma_wait3A_66 = arith.constant 0 : i32
      %dma_wait3A_67 = tpu.memref_slice %arg2[%add3A_65, %dma_wait3A_66] : memref<16384x200xf32, #tpu.memory_space<hbm>> -> memref<16x200xf32, #tpu.memory_space<hbm>>
      %dma_wait3A_68 = arith.constant 0 : i32
      %dma_wait3A_69 = tpu.memref_slice %arg2[%add3A_65, %dma_wait3A_68] : memref<16384x200xf32, #tpu.memory_space<hbm>> -> memref<16x200xf32, #tpu.memory_space<hbm>>
      tpu.wait_dma2 semaphore(%arg12 : memref<!tpu.dma_semaphore, #tpu.memory_space<semaphore_mem>>) src(%dma_wait3A_69 : memref<16x200xf32, #tpu.memory_space<hbm>>) dst(%arg7 : memref<16x200xf32, #tpu.memory_space<vmem>>)
      %gt3A_70 = arith.constant 0 : i32
      %gt3A_71 = arith.cmpi sgt, %scan3A_32, %gt3A_70 : i32
      %convert_element_type3A_72 = arith.extui %gt3A_71 : i1 to i32
      %cond3A_73 = arith.constant 0 : i32
      %cond3A_74 = arith.cmpi ne, %convert_element_type3A_72, %cond3A_73 : i32
      scf.if %cond3A_74 {
        %sub3A = arith.constant 2 : i32
        %sub3A_90 = arith.subi %add3A_62, %sub3A : i32
        %mul3A_91 = arith.constant 16 : i32
        %mul3A_92 = arith.muli %sub3A_90, %mul3A_91 : i32
        %add3A_93 = arith.addi %mul3A_2, %mul3A_92 : i32
        %dma_wait3A_94 = arith.constant 0 : i32
        %dma_wait3A_95 = tpu.memref_slice %arg4[%add3A_93, %dma_wait3A_94] : memref<16384x200xf32, #tpu.memory_space<hbm>> -> memref<16x200xf32, #tpu.memory_space<hbm>>
        %dma_wait3A_96 = arith.constant 0 : i32
        %dma_wait3A_97 = tpu.memref_slice %arg4[%add3A_93, %dma_wait3A_96] : memref<16384x200xf32, #tpu.memory_space<hbm>> -> memref<16x200xf32, #tpu.memory_space<hbm>>
        tpu.wait_dma2 semaphore(%arg14 : memref<!tpu.dma_semaphore, #tpu.memory_space<semaphore_mem>>) src(%arg9 : memref<16x200xf32, #tpu.memory_space<vmem>>) dst(%dma_wait3A_97 : memref<16x200xf32, #tpu.memory_space<hbm>>)
      } else {
      }
      %parallel_loop3A_75 = arith.constant 0 : i32
      %parallel_loop3A_76 = arith.constant 208 : i32
      %parallel_loop3A_77 = arith.constant 1 : i32
      scf.for %parallel_loop3A_90 = %parallel_loop3A_75 to %parallel_loop3A_76 step %parallel_loop3A_77  : i32 {
        %parallel_loop3A_91 = arith.constant 13 : i32
        %parallel_loop3A_92 = arith.divsi %parallel_loop3A_90, %parallel_loop3A_91 : i32
        %parallel_loop3A_93 = arith.constant 0 : i32
        %parallel_loop3A_94 = arith.cmpi sgt, %parallel_loop3A_90, %parallel_loop3A_93 : i32
        %parallel_loop3A_95 = arith.extui %parallel_loop3A_94 : i1 to i32
        %parallel_loop3A_96 = arith.constant 0 : i32
        %parallel_loop3A_97 = arith.cmpi slt, %parallel_loop3A_90, %parallel_loop3A_96 : i32
        %parallel_loop3A_98 = arith.extui %parallel_loop3A_97 : i1 to i32
        %parallel_loop3A_99 = arith.subi %parallel_loop3A_95, %parallel_loop3A_98 : i32
        %parallel_loop3A_100 = arith.constant 0 : i32
        %parallel_loop3A_101 = arith.cmpi sgt, %parallel_loop3A_91, %parallel_loop3A_100 : i32
        %parallel_loop3A_102 = arith.extui %parallel_loop3A_101 : i1 to i32
        %parallel_loop3A_103 = arith.constant 0 : i32
        %parallel_loop3A_104 = arith.cmpi slt, %parallel_loop3A_91, %parallel_loop3A_103 : i32
        %parallel_loop3A_105 = arith.extui %parallel_loop3A_104 : i1 to i32
        %parallel_loop3A_106 = arith.subi %parallel_loop3A_102, %parallel_loop3A_105 : i32
        %parallel_loop3A_107 = arith.cmpi ne, %parallel_loop3A_99, %parallel_loop3A_106 : i32
        %parallel_loop3A_108 = arith.remsi %parallel_loop3A_90, %parallel_loop3A_91 : i32
        %parallel_loop3A_109 = arith.constant 0 : i32
        %parallel_loop3A_110 = arith.cmpi ne, %parallel_loop3A_108, %parallel_loop3A_109 : i32
        %parallel_loop3A_111 = arith.andi %parallel_loop3A_107, %parallel_loop3A_110 : i1
        %parallel_loop3A_112 = arith.constant 1 : i32
        %parallel_loop3A_113 = arith.subi %parallel_loop3A_92, %parallel_loop3A_112 : i32
        %parallel_loop3A_114 = arith.select %parallel_loop3A_111, %parallel_loop3A_113, %parallel_loop3A_92 : i32
        %parallel_loop3A_115 = arith.constant 13 : i32
        %parallel_loop3A_116 = arith.muli %parallel_loop3A_114, %parallel_loop3A_115 : i32
        %parallel_loop3A_117 = arith.subi %parallel_loop3A_90, %parallel_loop3A_116 : i32
        %parallel_loop3A_118 = arith.constant 16 : i32
        %parallel_loop3A_119 = arith.muli %parallel_loop3A_117, %parallel_loop3A_118 : i32
        %parallel_loop3A_120 = arith.constant 184 : i32
        %parallel_loop3A_121 = arith.minsi %parallel_loop3A_119, %parallel_loop3A_120 : i32
        %parallel_loop3A_122 = arith.index_cast %parallel_loop3A_114 : i32 to index
        %parallel_loop3A_123 = arith.index_cast %parallel_loop3A_121 : i32 to index
        %parallel_loop3A_124 = tpu.vector_load %arg7[%parallel_loop3A_122, %parallel_loop3A_123] {strides = array<i32>} : memref<16x200xf32, #tpu.memory_space<vmem>>, vector<16xf32>,
        %parallel_loop3A_125 = vector.broadcast %scan3A_14 : f32 to vector<16xf32>
        %parallel_loop3A_126 = arith.divf %parallel_loop3A_124, %parallel_loop3A_125 : vector<16xf32>
        %parallel_loop3A_127 = arith.fptosi %parallel_loop3A_126 : vector<16xf32> to vector<16xi32>
        %parallel_loop3A_128 = arith.constant 0 : i32
        %parallel_loop3A_129 = vector.broadcast %parallel_loop3A_128 : i32 to vector<16xi32>
        %parallel_loop3A_130 = arith.maxsi %parallel_loop3A_127, %parallel_loop3A_129 : vector<16xi32>
        %parallel_loop3A_131 = arith.constant 99998 : i32
        %parallel_loop3A_132 = vector.broadcast %parallel_loop3A_131 : i32 to vector<16xi32>
        %parallel_loop3A_133 = arith.minsi %parallel_loop3A_130, %parallel_loop3A_132 : vector<16xi32>
        %parallel_loop3A_134 = arith.sitofp %parallel_loop3A_133 : vector<16xi32> to vector<16xf32>
        %parallel_loop3A_135 = arith.subf %parallel_loop3A_126, %parallel_loop3A_134 : vector<16xf32>
        %parallel_loop3A_136 = tpu.vector_load_idx %arg5[%parallel_loop3A_133] : memref<100008xf32, #tpu.memory_space<vmem>>[vector<16xi32>], vector<16xf32>,
        %parallel_loop3A_137 = arith.constant 1 : i32
        %parallel_loop3A_138 = vector.broadcast %parallel_loop3A_137 : i32 to vector<16xi32>
        %parallel_loop3A_139 = arith.addi %parallel_loop3A_133, %parallel_loop3A_138 : vector<16xi32>
        %parallel_loop3A_140 = tpu.vector_load_idx %arg5[%parallel_loop3A_139] : memref<100008xf32, #tpu.memory_space<vmem>>[vector<16xi32>], vector<16xf32>,
        %parallel_loop3A_141 = arith.constant 2 : i32
        %parallel_loop3A_142 = vector.broadcast %parallel_loop3A_141 : i32 to vector<16xi32>
        %parallel_loop3A_143 = arith.addi %parallel_loop3A_133, %parallel_loop3A_142 : vector<16xi32>
        %parallel_loop3A_144 = tpu.vector_load_idx %arg5[%parallel_loop3A_143] : memref<100008xf32, #tpu.memory_space<vmem>>[vector<16xi32>], vector<16xf32>,
        %parallel_loop3A_145 = arith.constant 3 : i32
        %parallel_loop3A_146 = vector.broadcast %parallel_loop3A_145 : i32 to vector<16xi32>
        %parallel_loop3A_147 = arith.addi %parallel_loop3A_133, %parallel_loop3A_146 : vector<16xi32>
        %parallel_loop3A_148 = tpu.vector_load_idx %arg5[%parallel_loop3A_147] : memref<100008xf32, #tpu.memory_space<vmem>>[vector<16xi32>], vector<16xf32>,
        %parallel_loop3A_149 = arith.constant 4 : i32
        %parallel_loop3A_150 = vector.broadcast %parallel_loop3A_149 : i32 to vector<16xi32>
        %parallel_loop3A_151 = arith.addi %parallel_loop3A_133, %parallel_loop3A_150 : vector<16xi32>
        %parallel_loop3A_152 = tpu.vector_load_idx %arg5[%parallel_loop3A_151] : memref<100008xf32, #tpu.memory_space<vmem>>[vector<16xi32>], vector<16xf32>,
        %parallel_loop3A_153 = arith.constant 5 : i32
        %parallel_loop3A_154 = vector.broadcast %parallel_loop3A_153 : i32 to vector<16xi32>
        %parallel_loop3A_155 = arith.addi %parallel_loop3A_133, %parallel_loop3A_154 : vector<16xi32>
        %parallel_loop3A_156 = tpu.vector_load_idx %arg5[%parallel_loop3A_155] : memref<100008xf32, #tpu.memory_space<vmem>>[vector<16xi32>], vector<16xf32>,
        %parallel_loop3A_157 = arith.subf %parallel_loop3A_140, %parallel_loop3A_136 : vector<16xf32>
        %parallel_loop3A_158 = arith.subf %parallel_loop3A_144, %parallel_loop3A_140 : vector<16xf32>
        %parallel_loop3A_159 = arith.subf %parallel_loop3A_148, %parallel_loop3A_144 : vector<16xf32>
        %parallel_loop3A_160 = arith.subf %parallel_loop3A_152, %parallel_loop3A_148 : vector<16xf32>
        %parallel_loop3A_161 = arith.subf %parallel_loop3A_156, %parallel_loop3A_152 : vector<16xf32>
        %parallel_loop3A_162 = arith.subf %parallel_loop3A_160, %parallel_loop3A_159 : vector<16xf32>
        %parallel_loop3A_163 = math.absf %parallel_loop3A_162 : vector<16xf32>
        %parallel_loop3A_164 = arith.subf %parallel_loop3A_158, %parallel_loop3A_157 : vector<16xf32>
        %parallel_loop3A_165 = math.absf %parallel_loop3A_164 : vector<16xf32>
        %parallel_loop3A_166 = arith.addf %parallel_loop3A_163, %parallel_loop3A_165 : vector<16xf32>
        %parallel_loop3A_167 = vector.broadcast %scan3A_15 : f32 to vector<16xf32>
        %parallel_loop3A_168 = arith.cmpf ogt, %parallel_loop3A_166, %parallel_loop3A_167 : vector<16xf32>
        %parallel_loop3A_169 = arith.constant 1.000000e+00 : f32
        %parallel_loop3A_170 = vector.broadcast %parallel_loop3A_169 : f32 to vector<16xf32>
        %parallel_loop3A_171 = arith.select %parallel_loop3A_168, %parallel_loop3A_163, %parallel_loop3A_170 : vector<16xi1>, vector<16xf32>
        %parallel_loop3A_172 = arith.constant 1.000000e+00 : f32
        %parallel_loop3A_173 = vector.broadcast %parallel_loop3A_172 : f32 to vector<16xf32>
        %parallel_loop3A_174 = arith.select %parallel_loop3A_168, %parallel_loop3A_165, %parallel_loop3A_173 : vector<16xi1>, vector<16xf32>
        %parallel_loop3A_175 = arith.mulf %parallel_loop3A_171, %parallel_loop3A_158 : vector<16xf32>
        %parallel_loop3A_176 = arith.mulf %parallel_loop3A_174, %parallel_loop3A_159 : vector<16xf32>
        %parallel_loop3A_177 = arith.addf %parallel_loop3A_175, %parallel_loop3A_176 : vector<16xf32>
        %parallel_loop3A_178 = arith.addf %parallel_loop3A_171, %parallel_loop3A_174 : vector<16xf32>
        %parallel_loop3A_179 = arith.divf %parallel_loop3A_177, %parallel_loop3A_178 : vector<16xf32>
        %parallel_loop3A_180 = arith.subf %parallel_loop3A_161, %parallel_loop3A_160 : vector<16xf32>
        %parallel_loop3A_181 = math.absf %parallel_loop3A_180 : vector<16xf32>
        %parallel_loop3A_182 = arith.subf %parallel_loop3A_159, %parallel_loop3A_158 : vector<16xf32>
        %parallel_loop3A_183 = math.absf %parallel_loop3A_182 : vector<16xf32>
        %parallel_loop3A_184 = arith.addf %parallel_loop3A_181, %parallel_loop3A_183 : vector<16xf32>
        %parallel_loop3A_185 = vector.broadcast %scan3A_15 : f32 to vector<16xf32>
        %parallel_loop3A_186 = arith.cmpf ogt, %parallel_loop3A_184, %parallel_loop3A_185 : vector<16xf32>
        %parallel_loop3A_187 = arith.constant 1.000000e+00 : f32
        %parallel_loop3A_188 = vector.broadcast %parallel_loop3A_187 : f32 to vector<16xf32>
        %parallel_loop3A_189 = arith.select %parallel_loop3A_186, %parallel_loop3A_181, %parallel_loop3A_188 : vector<16xi1>, vector<16xf32>
        %parallel_loop3A_190 = arith.constant 1.000000e+00 : f32
        %parallel_loop3A_191 = vector.broadcast %parallel_loop3A_190 : f32 to vector<16xf32>
        %parallel_loop3A_192 = arith.select %parallel_loop3A_186, %parallel_loop3A_183, %parallel_loop3A_191 : vector<16xi1>, vector<16xf32>
        %parallel_loop3A_193 = arith.mulf %parallel_loop3A_189, %parallel_loop3A_159 : vector<16xf32>
        %parallel_loop3A_194 = arith.mulf %parallel_loop3A_192, %parallel_loop3A_160 : vector<16xf32>
        %parallel_loop3A_195 = arith.addf %parallel_loop3A_193, %parallel_loop3A_194 : vector<16xf32>
        %parallel_loop3A_196 = arith.addf %parallel_loop3A_189, %parallel_loop3A_192 : vector<16xf32>
        %parallel_loop3A_197 = arith.divf %parallel_loop3A_195, %parallel_loop3A_196 : vector<16xf32>
        %parallel_loop3A_198 = arith.addf %parallel_loop3A_179, %parallel_loop3A_197 : vector<16xf32>
        %parallel_loop3A_199 = arith.addf %parallel_loop3A_159, %parallel_loop3A_159 : vector<16xf32>
        %parallel_loop3A_200 = arith.subf %parallel_loop3A_198, %parallel_loop3A_199 : vector<16xf32>
        %parallel_loop3A_201 = arith.constant 3.000000e+00 : f32
        %parallel_loop3A_202 = vector.broadcast %parallel_loop3A_201 : f32 to vector<16xf32>
        %parallel_loop3A_203 = arith.mulf %parallel_loop3A_202, %parallel_loop3A_159 : vector<16xf32>
        %parallel_loop3A_204 = arith.addf %parallel_loop3A_179, %parallel_loop3A_179 : vector<16xf32>
        %parallel_loop3A_205 = arith.subf %parallel_loop3A_203, %parallel_loop3A_204 : vector<16xf32>
        %parallel_loop3A_206 = arith.subf %parallel_loop3A_205, %parallel_loop3A_197 : vector<16xf32>
        %parallel_loop3A_207 = arith.mulf %parallel_loop3A_135, %parallel_loop3A_200 : vector<16xf32>
        %parallel_loop3A_208 = arith.addf %parallel_loop3A_206, %parallel_loop3A_207 : vector<16xf32>
        %parallel_loop3A_209 = arith.mulf %parallel_loop3A_135, %parallel_loop3A_208 : vector<16xf32>
        %parallel_loop3A_210 = arith.addf %parallel_loop3A_179, %parallel_loop3A_209 : vector<16xf32>
        %parallel_loop3A_211 = arith.mulf %parallel_loop3A_135, %parallel_loop3A_210 : vector<16xf32>
        %parallel_loop3A_212 = arith.addf %parallel_loop3A_144, %parallel_loop3A_211 : vector<16xf32>
        %parallel_loop3A_213 = arith.index_cast %parallel_loop3A_114 : i32 to index
        %parallel_loop3A_214 = arith.index_cast %parallel_loop3A_121 : i32 to index
        %parallel_loop3A_215 = tpu.vector_load %arg9[%parallel_loop3A_213, %parallel_loop3A_214] {strides = array<i32>} : memref<16x200xf32, #tpu.memory_space<vmem>>, vector<16xf32>,
        tpu.vector_store %arg9[%parallel_loop3A_213, %parallel_loop3A_214], %parallel_loop3A_212 {strides = array<i32>} : memref<16x200xf32, #tpu.memory_space<vmem>>, vector<16xf32>,
      } {sc.loop_unroll_factor = 2 : i64, sc.parallel_access}
      %lt3A_78 = arith.constant 15 : i32
      %lt3A_79 = arith.cmpi slt, %scan3A_32, %lt3A_78 : i32
      %convert_element_type3A_80 = arith.extui %lt3A_79 : i1 to i32
      %cond3A_81 = arith.constant 0 : i32
      %cond3A_82 = arith.cmpi ne, %convert_element_type3A_80, %cond3A_81 : i32
      scf.if %cond3A_82 {
        %add3A_90 = arith.constant 2 : i32
        %add3A_91 = arith.addi %add3A_62, %add3A_90 : i32
        %mul3A_92 = arith.constant 16 : i32
        %mul3A_93 = arith.muli %add3A_91, %mul3A_92 : i32
        %add3A_94 = arith.addi %mul3A_2, %mul3A_93 : i32
        %dma_start3A_95 = arith.constant 0 : i32
        %dma_start3A_96 = tpu.memref_slice %arg2[%add3A_94, %dma_start3A_95] : memref<16384x200xf32, #tpu.memory_space<hbm>> -> memref<16x200xf32, #tpu.memory_space<hbm>>
        %dma_start3A_97 = arith.constant 0 : i32
        %dma_start3A_98 = tpu.memref_slice %arg2[%add3A_94, %dma_start3A_97] : memref<16384x200xf32, #tpu.memory_space<hbm>> -> memref<16x200xf32, #tpu.memory_space<hbm>>
        tpu.enqueue_dma source(%dma_start3A_98 : memref<16x200xf32, #tpu.memory_space<hbm>>) target(%arg7 : memref<16x200xf32, #tpu.memory_space<vmem>>) target_semaphore(%arg12 : memref<!tpu.dma_semaphore, #tpu.memory_space<semaphore_mem>>)
      } else {
      }
      %mul3A_83 = arith.constant 16 : i32
      %mul3A_84 = arith.muli %add3A_62, %mul3A_83 : i32
      %add3A_85 = arith.addi %mul3A_2, %mul3A_84 : i32
      %dma_start3A_86 = arith.constant 0 : i32
      %dma_start3A_87 = tpu.memref_slice %arg4[%add3A_85, %dma_start3A_86] : memref<16384x200xf32, #tpu.memory_space<hbm>> -> memref<16x200xf32, #tpu.memory_space<hbm>>
      %dma_start3A_88 = arith.constant 0 : i32
      %dma_start3A_89 = tpu.memref_slice %arg4[%add3A_85, %dma_start3A_88] : memref<16384x200xf32, #tpu.memory_space<hbm>> -> memref<16x200xf32, #tpu.memory_space<hbm>>
      tpu.enqueue_dma source(%arg9 : memref<16x200xf32, #tpu.memory_space<vmem>>) target(%dma_start3A_89 : memref<16x200xf32, #tpu.memory_space<hbm>>) target_semaphore(%arg14 : memref<!tpu.dma_semaphore, #tpu.memory_space<semaphore_mem>>)
    }
    %scan3A_20 = arith.constant 16 : i32
    %add3A_21 = arith.constant 480 : i32
    %add3A_22 = arith.addi %mul3A_2, %add3A_21 : i32
    %dma_wait3A = arith.constant 0 : i32
    %dma_wait3A_23 = tpu.memref_slice %arg4[%add3A_22, %dma_wait3A] : memref<16384x200xf32, #tpu.memory_space<hbm>> -> memref<16x200xf32, #tpu.memory_space<hbm>>
    %dma_wait3A_24 = arith.constant 0 : i32
    %dma_wait3A_25 = tpu.memref_slice %arg4[%add3A_22, %dma_wait3A_24] : memref<16384x200xf32, #tpu.memory_space<hbm>> -> memref<16x200xf32, #tpu.memory_space<hbm>>
    tpu.wait_dma2 semaphore(%arg13 : memref<!tpu.dma_semaphore, #tpu.memory_space<semaphore_mem>>) src(%arg8 : memref<16x200xf32, #tpu.memory_space<vmem>>) dst(%dma_wait3A_25 : memref<16x200xf32, #tpu.memory_space<hbm>>)
    %add3A_26 = arith.constant 496 : i32
    %add3A_27 = arith.addi %mul3A_2, %add3A_26 : i32
    %dma_wait3A_28 = arith.constant 0 : i32
    %dma_wait3A_29 = tpu.memref_slice %arg4[%add3A_27, %dma_wait3A_28] : memref<16384x200xf32, #tpu.memory_space<hbm>> -> memref<16x200xf32, #tpu.memory_space<hbm>>
    %dma_wait3A_30 = arith.constant 0 : i32
    %dma_wait3A_31 = tpu.memref_slice %arg4[%add3A_27, %dma_wait3A_30] : memref<16384x200xf32, #tpu.memory_space<hbm>> -> memref<16x200xf32, #tpu.memory_space<hbm>>
    tpu.wait_dma2 semaphore(%arg14 : memref<!tpu.dma_semaphore, #tpu.memory_space<semaphore_mem>>) src(%arg9 : memref<16x200xf32, #tpu.memory_space<vmem>>) dst(%dma_wait3A_31 : memref<16x200xf32, #tpu.memory_space<hbm>>)
    return
  }
}

</mosaic_0001>

<sc_bundles>
// kernel: kernel.3.cloned.1.call-start
scs
__scs_entry_jumppad:
0x0: {  	(pc) =	sbr.rel $0x88, $3  }
0x1: {  	(tag) =	ssettag $0x0;
	lr =	simm.s32 $0x1  }
0x2: {  	[smem:$0x3F9F] =	sst lr;
	_ =	strace $0xD0000000  }
0x3: {  	_ = 	snop  }
0x4: {  	_ = 	snop  }
0x5: {  	_ = 	snop  }
0x6: {  	_ = 	snop  }
0x7: {  	_ = 	snop  }
__scs_overlays_trampoline_lowered:
0x8: {  	[smem:$0x3FAE] =	sst s0  }
0x9: {  	[smem:$0x3FAF] =	sst s1  }
0xa: {  	[smem:$0x3FB0] =	sst s2  }
0xb: {  	[smem:$0x3FB1] =	sst s3  }
0xc: {  	[smem:$0x3FB2] =	sst s4  }
0xd: {  	[smem:$0x3FB3] =	sst s5  }
0xe: {  	[smem:$0x3FB4] =	sst s6  }
0xf: {  	[smem:$0x3FB5] =	sst s7  }
0x10: {  	[smem:$0x3FB6] =	sst s8  }
0x11: {  	[smem:$0x3FB7] =	sst s9;
	s0 =	simm.s32 @!p0 $0x0  }
0x12: {  	s1 =	sld [smem:$0x3F9D];
	s0 =	simm.s32 @p0 $0x1  }
0x13: {  	[smem:$0x3FB8] =	sst s0;
	s0 =	simm.s32 @!p1 $0x0  }
0x14: {  	s2 =	sld [smem:$0x3F9C];
	s0 =	simm.s32 @p1 $0x1  }
0x15: {  	[smem:$0x3FB9] =	sst s0;
	s0 =	simm.s32 @!p2 $0x0  }
0x16: {  	s3 =	sld [smem:$0x3FDB];
	s0 =	simm.s32 @p2 $0x1  }
0x17: {  	s4 =	simm.s32 $0x1BF5;
	[smem:$0x3FBB] =	sst s0  }
0x18: {  	s0 =	sld [smem:$0x3F9E];
	_ =	swait.ge [sflag:s4], $0x0  }
0x19: {  	s7 =	sld [smem:$0x3F9F]  }
0x1a: {  	s8 =	sadd.s32 $0xFFFFE003, lr  }
0x1b: {  	s9 =	sadd.s32 $0xFFFFFEF7, lr;
	s5 =	simm.s32 $0xFFFFFFFF;
	p2 =	slt.u32 s8, $0xFFFFF086  }
0x1c: {  	p1 =	slt.u32 s9, $0xF7A;
	s5 =	simm.s32 @!p2 $0x0  }
0x1d: {  	s5 =	simm.s32 @p1 $0x1;
	p0 =	seq.s32 s7, s2  }
0x1e: {  	s7 =	smul.u32 @!p0 $0xF7A, s2;
	p2 =	seq.s32 @!p0 s5, $0x0  }
0x1f: {  	s9 =	smul.u32 $0xF7A, s1;
	s8 =	simm.s32 @!p0 $0x1BF5;
	p2 =	por !p2, p0  }
0x20: {  	[sflag:s8] =	ssyncset.s32 @!p0 $0xFFFFF086;
	s6 =	sadd.s32 @!p0 s3, s7;
	s7 =	simm.s32 @!p0 $0x108  }
0x21: {  	s3 =	sadd.s32 s3, s9;
	s6 =	sadd.s32 @!p0 $0x88, s6;
	s7 =	simm.s32 @p2 $0x1082  }
0x22: {  	[simem:s7], [sflag:s8] =	dma.local @!p0 [hbm:s6], $0xF7A  }
0x23: {  	s9 =	sor.u32 $0xD0000000, s2;
	s6 =	simm.s32 $0x108;
	_ =	swait.ge @!p0 [sflag:s8], $0x0  }
0x24: {  	s3 =	sadd.s32 $0x88, s3;
	s6 =	simm.s32 @!p1 $0x1082;
	[sflag:s4] =	ssyncset.s32 $0xFFFFF086  }
0x25: {  	[simem:s6], [sflag:s4] =	dma.local [hbm:s3], $0xF7A  }
0x26: {  	[smem:$0x3F9F] =	sst s1;
	(tag) =	ssettag s2;
	_ =	strace s9  }
0x27: {  	s1 =	sld [smem:$0x3FAF]  }
0x28: {  	s2 =	sld [smem:$0x3FB0]  }
0x29: {  	s4 =	sld [smem:$0x3FB2]  }
0x2a: {  	p0 =	seq.s32 s5, $0x0;
	s5 =	sld [smem:$0x3FB3]  }
0x2b: {  	s6 =	sld [smem:$0x3FB4]  }
0x2c: {  	s7 =	sld [smem:$0x3FB5]  }
0x2d: {  	s3 =	simm.s32 $0x108;
	s8 =	sld [smem:$0x3FB6]  }
0x2e: {  	s3 =	simm.s32 @!p0 $0x1082;
	s9 =	sld [smem:$0x3FB7]  }
0x2f: {  	lr =	sadd.s32 s0, s3;
	s0 =	sld [smem:$0x3FAE]  }
0x30: {  	s3 =	sld [smem:$0x3FB1]  }
0x31: {  	[smem:$0x3FBA] =	sst s10  }
0x32: {  	s10 =	sld [smem:$0x3FB8];
	_ =	sdelay $0x3  }
0x33: {  	p0 =	seq.s32 s10, $0x1;
	s10 =	sld [smem:$0x3FBA];
	_ =	sdelay $0x3  }
0x34: {  	[smem:$0x3FBA] =	sst s10  }
0x35: {  	s10 =	sld [smem:$0x3FB9];
	_ =	sdelay $0x3  }
0x36: {  	p1 =	seq.s32 s10, $0x1;
	s10 =	sld [smem:$0x3FBA];
	_ =	sdelay $0x3  }
0x37: {  	[smem:$0x3FBA] =	sst s10  }
0x38: {  	s10 =	sld [smem:$0x3FBB]  }
0x39: {  	_ = 	snop;
	(pc) =	sbr.ind lr, $3  }
0x3a: {  	_ = 	snop  }
0x3b: {  	_ = 	snop  }
0x3c: {  	p2 =	seq.s32 s10, $0x1;
	s10 =	sld [smem:$0x3FBA]  }
0x3d: {  	_ =	shalt  }
0x3e: {  	_ =	shalt  }
0x3f: {  	_ =	shalt  }
0x40: {  	_ =	shalt  }
0x41: {  	_ =	shalt  }
0x42: {  	_ =	shalt  }
0x43: {  	_ =	shalt  }
0x44: {  	_ =	shalt  }
0x45: {  	_ =	shalt  }
0x46: {  	_ =	shalt  }
0x47: {  	_ =	shalt  }
0x48: {  	_ =	shalt  }
0x49: {  	_ =	shalt  }
0x4a: {  	_ =	shalt  }
0x4b: {  	_ =	shalt  }
0x4c: {  	_ =	shalt  }
0x4d: {  	_ =	shalt  }
0x4e: {  	_ =	shalt  }
0x4f: {  	_ =	shalt  }
0x50: {  	_ =	shalt  }
0x51: {  	_ =	shalt  }
0x52: {  	_ =	shalt  }
0x53: {  	_ =	shalt  }
0x54: {  	_ =	shalt  }
0x55: {  	_ =	shalt  }
0x56: {  	_ =	shalt  }
0x57: {  	_ =	shalt  }
0x58: {  	_ =	shalt  }
0x59: {  	_ =	shalt  }
0x5a: {  	_ =	shalt  }
0x5b: {  	_ =	shalt  }
0x5c: {  	_ =	shalt  }
0x5d: {  	_ =	shalt  }
0x5e: {  	_ =	shalt  }
0x5f: {  	_ =	shalt  }
0x60: {  	_ =	shalt  }
0x61: {  	_ =	shalt  }
0x62: {  	_ =	shalt  }
0x63: {  	_ =	shalt  }
0x64: {  	_ =	shalt  }
0x65: {  	_ =	shalt  }
0x66: {  	_ =	shalt  }
0x67: {  	_ =	shalt  }
0x68: {  	_ =	shalt  }
0x69: {  	_ =	shalt  }
0x6a: {  	_ =	shalt  }
0x6b: {  	_ =	shalt  }
0x6c: {  	_ =	shalt  }
0x6d: {  	_ =	shalt  }
0x6e: {  	_ =	shalt  }
0x6f: {  	_ =	shalt  }
0x70: {  	_ =	shalt  }
0x71: {  	_ =	shalt  }
0x72: {  	_ =	shalt  }
0x73: {  	_ =	shalt  }
0x74: {  	_ =	shalt  }
0x75: {  	_ =	shalt  }
0x76: {  	_ =	shalt  }
0x77: {  	_ =	shalt  }
0x78: {  	_ =	shalt  }
0x79: {  	_ =	shalt  }
0x7a: {  	_ =	shalt  }
0x7b: {  	_ =	shalt  }
0x7c: {  	_ =	shalt  }
0x7d: {  	_ =	shalt  }
0x7e: {  	_ =	shalt  }
0x7f: {  	_ =	shalt  }
0x80: {  	_ =	shalt  }
0x81: {  	_ =	shalt  }
0x82: {  	_ =	shalt  }
0x83: {  	_ =	shalt  }
0x84: {  	_ =	shalt  }
0x85: {  	_ =	shalt  }
0x86: {  	_ =	shalt  }
0x87: {  	_ =	shalt  }
.Lfunc_end0:
.L_simem_size_0:
called_computation_lowered:
.L_overlay_start_0:
0x88: {  	s2 =	sld [smem:$0x3FD9]  }
0x89: {  	s3 =	sld [smem:$0x3FFE];
	_ =	sdelay $0x1  }
0x8a: {  	s1 =	srdreg.scid  }
0x8b: {  	s0 =	sand.u32 $0x1, s1  }
0x8c: {  	s17 =	sshll.u32 s0, $0xA;
	s2 =	sadd.s32 s3, s2  }
0x8d: {  	s2 =	sadd.s32 s2, s17  }
0x8e: {  	[smem:$0x3FC6] =	sst s2  }
0x8f: {  	_ = 	snop  }
0x90: {  	s2 =	sld [smem:$0x3FD0];
	(tm) =	ssettm $0x1  }
0x91: {  	s18 =	sld [smem:$0x3FFB];
	_ =	sdelay $0x3  }
0x92: {  	_ =	strace s18  }
0x93: {  	s3 =	sld [smem:$0x3FFC];
	_ =	sdelay $0x3  }
0x94: {  	_ =	strace s3  }
0x95: {  	s3 =	sld [smem:$0x3FFD];
	_ =	sdelay $0x3  }
0x96: {  	_ =	strace s3  }
0x97: {  	_ =	strace $0x8FFFFFFF  }
0x98: {  	s19 =	sld [smem:$0x3FDB];
	_ =	sdelay $0x1  }
0x99: {  	s4 =	simm.s32 $_scs_section_size  }
0x9a: {  	s5 =	simm.s32 $_size__tile_overlayer_lowered;
	s6 =	simm.s32 $_tile_overlayer_lowered  }
0x9b: {  	s22 =	simm.s32 $0x1BFF;
	s21 =	sshll.u32 s6, $0x1;
	s3 =	sadd.s32 s4, s19  }
0x9c: {  	s7 =	simm.s32 $0x0;
	s20 =	sshll.u32 s5, $0x1;
	s5 =	sadd.s32 s21, s3  }
0x9d: {  	[timem:s7], [sflag:s22] =	dma.local [hbm:s5], s20  }
0x9e: {  	_ =	swait.ge [sflag:s22], s20  }
0x9f: {  	s4 =	ssub.s32 $0x0, s20;
	[sflag:s22] =	ssyncset.done $0x0  }
0xa0: {  	[sflag:s22] =	ssyncadd.s32 s4;
	_ =	sdelay $0x1  }
0xa1: {  	s23 =	simm.s32 $0x1B8B  }
0xa2: {  	_ =	swait.ge [sflag:s23], $0x1  }
0xa3: {  	[sflag:s23] =	ssyncset.done $0x0  }
0xa4: {  	s25 =	simm.s32 $0x1B8E;
	s24 =	sld [smem:$0x3FFE];
	[sflag:s23] =	ssyncadd.s32 $0xFFFFFFFF  }
0xa5: {  	s26 =	simm.s32 $execute0_lowered;
	[smem:$0x3FD2] =	sst s25  }
0xa6: {  	s5 =	sshll.u32 s26, $0x1;
	_ =	strace $0x80000046;
	[dreg:$0x1] =	wrdreg $0xFFFFFFFF  }
0xa7: {  	s28 =	simm.s32 $_size_execute0_lowered;
	s3 =	sadd.s32 s3, s5;
	[dreg:$0x0] =	wrdreg $0x0  }
0xa8: {  	s5 =	sshll.u32 s28, $0x1;
	[dreg:$0x2] =	wrdreg s3  }
0xa9: {  	[dreg:$0x3] =	wrdreg s5  }
0xaa: {  	[dreg:$0x4] =	wrdreg $0xC0  }
0xab: {  	_ =	task [dreg:s7], $0x5FFFF  }
0xac: {  	[dreg:$0x1] =	wrdreg $0xFFFFFFFF  }
0xad: {  	[dreg:$0x0] =	wrdreg $0x60  }
0xae: {  	[dreg:$0x2] =	wrdreg s24  }
0xaf: {  	[dreg:$0x3] =	wrdreg s2  }
0xb0: {  	[dreg:$0x4] =	wrdreg $0x9  }
0xb1: {  	_ =	task.clear_ibuf [dreg:s7], $0x5FFFF;
	_ =	strace $0x90000046  }
0xb2: {  	s29 =	simm.s32 $0x9;
	_ =	strace $0x80000048  }
0xb3: {  	_ =	swait.ge [sflag:s29], $0x1  }
0xb4: {  	[sflag:s29] =	ssyncadd.s32 $0xFFFFFFFF  }
0xb5: {  	_ =	strace $0x90000048  }
0xb6: {  	_ =	sfence  }
0xb7: {  	s30 =	sld [smem:$0x0];
	_ =	sdelay $0x2  }
0xb8: {  	s31 =	sshll.u32 s1, $0xD;
	s1 =	sshrl.u32 s1, $0x2  }
0xb9: {  	s3 =	sand.u32 $0x4000, s31;
	s1 =	sadd.s32 s1, s30  }
0xba: {  	s0 =	sor.u32 s3, s0;
	s1 =	sshll.u32 s1, $0x11  }
0xbb: {  	s0 =	sor.u32 s1, s0  }
0xbc: {  	s0 =	sadd.s32 $0x8F2B, s0  }
0xbd: {  	[sflag:s0] =	ssyncadd.remote.s32 $0x1  }
0xbe: {  	_ =	sfence.sel $0xFFFF  }
0xbf: {  	[dreg:$0x0] =	wrdreg $0xFFFFFFFF;
	(pc) =	sbr.abs _section_cstart, $3  }
0xc0: {  	[dreg:$0x1] =	wrdreg $0xFFFFFFFF  }
0xc1: {  	_ =	task.clear_ibuf [dreg:s7], $0x2FFFF;
	_ =	strace $0x9FFFFFFF  }
0xc2: {  	(tm) =	ssettm $0x7FFFFFFF  }
0xc3: {  	_ =	shalt  }
tec
execute0_lowered:
.L_overlay_start_1:
0x0: {  	(tag) =	ssettag $0x1  }
0x1: {  	s2 =	simm.s32 $0x0  }
0x2: {  	[smem:$0x7FF] =	sst s2  }
0x3: {  	s0 =	rddreg [dreg:$0x0];
	v0 =	vimm.f32 $1.000009980e-05;
	_ =	strace $0x80000047  }
0x4: {  	(erf) = vrcp.f32 v0  }
0x5: {  	s1 =	srdreg.scid;
	s3 =	stileid.u32  }
0x6: {  	s16 =	simm.s32 $0x2;
	s17 =	simm.s32 $0x1A700;
	s1 =	sand.u32 $0x1, s1  }
0x7: {  	s18 =	simm.s32 $0x3;
	s3 =	sshll.u32 s3, $0xA;
	s4 =	sshll.u32 s1, $0x9  }
0x8: {  	s19 =	simm.s32 $0x1B700;
	s1 =	ssub.s32 $0x2, s1;
	s4 =	sor.u32 s4, s3  }
0x9: {  	s5 =	sadd.s32 $0xC00, s0;
	s29 =	sshrl.u32 s1, $0x1;
	s8 =	sshll.u32 s4, $0x5  }
0xa: {  	s6 =	sadd.s32 $0x80C00, s0;
	s30 =	ssub.s32 s1, s29;
	s31 =	sadd.s32 s5, s8  }
0xb: {  	s3 =	simm.s32 $0x0;
	s0 =	smax.u32 s30, $0x1;
	[dreg:$0x3] =	wrdreg s31  }
0xc: {  	s9 =	sor.u32 $0x20, s4;
	s1 =	sadd.s32 $0x200, s31;
	[dreg:$0x5] =	wrdreg s0  }
0xd: {  	s11 =	sor.u32 $0x30, s4;
	s10 =	sadd.s32 s6, s8;
	[dreg:$0x4] =	wrdreg s1;
	v0 =	vpop (erf)  }
.LBB2_1:
0xe: {  	[dreg:$0x6] =	wrdreg s3  }
0xf: {  	s0 =	rddreg [dreg:$0x1]  }
0x10: {  	[tilespmem:s2], [sflag:$0x1] =	stream.linear.gather [hbm4b:s0+s2], $0x18700, $0x38;
	[tilespmem:$0x1C700] =	vst v63  }
0x11: {  	s28 =	rddreg [dreg:$0x3];
	s1 =	simm.s32 $0x18700  }
0x12: {  	[tilespmem:s1], [sflag:$0x2] =	stream.linear.gather [hbm4b:s28+s2], $0x1000, $0x38;
	[tilespmem:$0x1C700] =	vst v63  }
0x13: {  	s29 =	rddreg [dreg:$0x4];
	s30 =	simm.s32 $0x19700;
	s31 =	simm.s32 $0x1  }
0x14: {  	[tilespmem:s30], [sflag:$0x3] =	stream.linear.gather [hbm4b:s29+s2], $0x1000, $0x38;
	[tilespmem:$0x1C700] =	vst v63  }
0x15: {  	_ =	swait.ge [sflag:s31], $0x18700  }
0x16: {  	[sflag:s31] =	ssyncset.done $0x0  }
0x17: {  	s23 =	simm.s32 $0x0;
	[sflag:s31] =	ssyncadd.s32 $0xFFFE7900  }
.LBB2_2:
0x18: {  	s0 =	simm.s32 $0x1  }
0x19: {  	_ =	swait.ge [sflag:s16], $0x1000;
	s3 =	simm.s32 $0x0;
	s0 =	smulhi.u32 $0x4EC4EC4F, s0  }
0x1a: {  	p0 =	seq.s32 s23, $0x0;
	s8 =	simm.s32 $0xFFFFFFFE;
	s3 =	smulhi.u32 $0x4EC4EC4F, s3  }
0x1b: {  	[sflag:s16] =	ssyncset.done $0x0;
	s8 =	smul.u32 $0x4F, s8;
	s0 =	sshrl.u32 s0, $0x2  }
0x1c: {  	s1 =	simm.s32 @!p0 $0x4;
	[sflag:s16] =	ssyncadd.s32 $0xFFFFF000;
	s0 =	smul.u32 $0xD0, s0  }
0x1d: {  	_ =	swait.ge @!p0 [sflag:s1], $0x1000  }
0x1e: {  	s25 =	sshrl.u32 s3, $0x2;
	s26 =	sadd.s32 $0xED, s8;
	s0 =	ssub.s32 $0x10, s0  }
0x1f: {  	s8 =	sadd.s32 $0x9E, s8;
	[sflag:s1] =	ssyncset.done @!p0 $0x0;
	p1 =	slt.s32 s0, $0xB8  }
0x20: {  	[sflag:s1] =	ssyncadd.s32 @!p0 $0xFFFFF000;
	s1 =	smul.u32 $0xD0, s25;
	s0 =	simm.s32 @!p1 $0xB8  }
0x21: {  	s14 =	sshrl.u32 s26, $0x2;
	s3 =	sshrl.u32 s26, $0x3;
	s13 =	sshll.u32 s0, $0x3  }
0x22: {  	s14 =	sand.u32 $0x1800, s14;
	s1 =	ssub.s32 $0x0, s1;
	s13 =	sand.u32 $0xFFFFFC00, s13  }
0x23: {  	s3 =	sand.u32 $0x380, s3;
	p1 =	slt.s32 s1, $0xB8;
	s13 =	sadd.s32 s14, s13  }
0x24: {  	s0 =	sand.u32 $0x78, s0;
	s1 =	simm.s32 @!p1 $0xB8;
	s3 =	sor.u32 s3, s13  }
0x25: {  	s12 =	sshrl.u32 s8, $0x2;
	s7 =	sshll.u32 s1, $0x3;
	s25 =	sor.u32 s0, s3  }
0x26: {  	s8 =	sshrl.u32 s8, $0x3;
	s0 =	sand.u32 $0xFFFFFC00, s7;
	s3 =	sand.u32 $0x1800, s12;
	v1 =	vld [tilespmem:s25+$0x18700]  }
0x27: {  	s8 =	sand.u32 $0x380, s8;
	s0 =	sadd.s32 s3, s0  }
0x28: {  	s1 =	sand.u32 $0x78, s1;
	s0 =	sor.u32 s8, s0  }
0x29: {  	s26 =	sor.u32 s1, s0  }
0x2a: {  	v2 =	vld [tilespmem:s26+$0x18700]  }
0x2b: {  	v4 =	vmul.f32 v1, v0;
	_ =	sdelay $0x1  }
0x2c: {  	v1 =	vtrunc.f32 v4  }
0x2d: {  	v1 =	vcvt.f32.s32 v1  }
0x2e: {  	v3 =	vmul.f32 v2, v0  }
0x2f: {  	vm0 =	vgt.s32 v1, $0x0  }
0x30: {  	v2 =	vtrunc.f32 v3;
	v1 =	vnsel vm0, $0x0, v1  }
0x31: {  	s13 =	simm.s32 $0x3;
	v5 =	vmin.u32 v1, $0x1869E;
	v1 =	vcvt.f32.s32 v2  }
0x32: {  	s0 =	smulhi.u32 $0x4EC4EC4F, s13;
	v2 =	vadd.s32 $0x1, v5  }
0x33: {  	v6 =	vadd.s32 $0x4, v5;
	vm7 =	vgt.s32 v1, $0x0  }
0x34: {  	s0 =	sshrl.u32 s0, $0x2;
	v7 =	vadd.s32 $0x5, v5;
	v1 =	vnsel vm7, $0x0, v1  }
0x35: {  	s0 =	smul.u32 $0xD0, s0;
	v8 =	vmin.u32 v1, $0x1869E  }
0x36: {  	s15 =	simm.s32 $0x0;
	v1 =	vadd.s32 $0x5, v8;
	v10 =	vld.idx.msk [tilespmem:v5+s2+$0x0], $0xffff  }
0x37: {  	s3 =	smul.u32 $0x4F, s15;
	s0 =	ssub.s32 $0x30, s0;
	v11 =	vadd.s32 $0x1, v8;
	v9 =	vld.idx.msk [tilespmem:v2+s2+$0x0], $0xffff  }
0x38: {  	p1 =	slt.s32 s0, $0xB8;
	v12 =	vadd.s32 $0x2, v5;
	v6 =	vld.idx.msk [tilespmem:v6+s2+$0x0], $0xffff  }
0x39: {  	s14 =	simm.s32 $0x2;
	s20 =	sadd.s32 $0xED, s3;
	s0 =	simm.s32 @!p1 $0xB8;
	v15 =	vadd.s32 $0x3, v5;
	v7 =	vld.idx.msk [tilespmem:v7+s2+$0x0], $0xffff  }
0x3a: {  	s1 =	smulhi.u32 $0x4EC4EC4F, s14;
	s22 =	sshrl.u32 s20, $0x2;
	s21 =	sshll.u32 s0, $0x3;
	v14 =	vld.idx.msk [tilespmem:v8+s2+$0x0], $0xffff  }
0x3b: {  	s8 =	sshrl.u32 s20, $0x3;
	s14 =	sand.u32 $0x1800, s22;
	s13 =	sand.u32 $0xFFFFFC00, s21;
	v2 =	vadd.s32 $0x4, v8;
	v16 =	vld.idx.msk [tilespmem:v1+s2+$0x0], $0xffff  }
0x3c: {  	s8 =	sand.u32 $0x380, s8;
	s13 =	sadd.s32 s14, s13;
	v13 =	vadd.s32 $0x2, v8;
	v11 =	vld.idx.msk [tilespmem:v11+s2+$0x0], $0xffff  }
0x3d: {  	s0 =	sand.u32 $0x78, s0;
	s8 =	sor.u32 s8, s13;
	v18 =	vadd.s32 $0x3, v8;
	v1 =	vld.idx.msk [tilespmem:v12+s2+$0x0], $0xffff  }
0x3e: {  	s1 =	sshrl.u32 s1, $0x2;
	s29 =	sor.u32 s0, s8;
	v12 =	vld.idx.msk [tilespmem:v15+s2+$0x0], $0xffff  }
0x3f: {  	s1 =	smul.u32 $0xD0, s1;
	v15 =	vld [tilespmem:s29+$0x18700]  }
0x40: {  	v5 =	vcvt.s32.f32 v5;
	v17 =	vld.idx.msk [tilespmem:v2+s2+$0x0], $0xffff  }
0x41: {  	s1 =	ssub.s32 $0x20, s1;
	v8 =	vcvt.s32.f32 v8;
	v2 =	vld.idx.msk [tilespmem:v13+s2+$0x0], $0xffff  }
0x42: {  	p1 =	slt.s32 s1, $0xB8;
	v4 =	vsub.f32 v4, v5;
	v13 =	vld.idx.msk [tilespmem:v18+s2+$0x0], $0xffff;
	v10 =	vsub.f32 v9, v10  }
0x43: {  	s3 =	sadd.s32 $0x9E, s3;
	s1 =	simm.s32 @!p1 $0xB8;
	v7 =	vsub.f32 v7, v6;
	v3 =	vsub.f32 v3, v8  }
0x44: {  	s7 =	sshrl.u32 s3, $0x2;
	s24 =	sshll.u32 s1, $0x3;
	v8 =	vsub.f32 v11, v14;
	v5 =	vsub.f32 v1, v9  }
0x45: {  	s3 =	sshrl.u32 s3, $0x3;
	s0 =	sand.u32 $0xFFFFFC00, s24;
	s8 =	sand.u32 $0x1800, s7;
	v6 =	vsub.f32 v6, v12;
	v14 =	vsub.f32 v16, v17  }
0x46: {  	s3 =	sand.u32 $0x380, s3;
	s0 =	sadd.s32 s8, s0;
	v9 =	vsub.f32 v2, v11;
	v11 =	vsub.f32 v12, v1  }
0x47: {  	s1 =	sand.u32 $0x78, s1;
	s0 =	sor.u32 s3, s0;
	v15 =	vmul.f32 v15, v0;
	v16 =	vsub.f32 v17, v13;
	v13 =	vsub.f32 v13, v2  }
0x48: {  	s28 =	sor.u32 s1, s0;
	v10 =	vsub.f32 v5, v10;
	v7 =	vsub.f32 v7, v6  }
0x49: {  	v12 =	vld [tilespmem:s28+$0x18700];
	v18 =	vtrunc.f32 v15;
	v17 =	vsub.f32 v11, v5;
	v8 =	vsub.f32 v9, v8  }
0x4a: {  	v19 =	vsub.f32 v6, v11;
	v18 =	vcvt.f32.s32 v18;
	v20 =	vsub.f32 v16, v13  }
0x4b: {  	v14 =	vsub.f32 v14, v16;
	v24 =	vsub.f32 v13, v9;
	v10 =	vand.u32 $0x7FFFFFFF, v10  }
0x4c: {  	v7 =	vand.u32 $0x7FFFFFFF, v7;
	v8 =	vand.u32 $0x7FFFFFFF, v8;
	vm8 =	vgt.s32 v18, $0x0  }
0x4d: {  	v20 =	vand.u32 $0x7FFFFFFF, v20;
	v17 =	vand.u32 $0x7FFFFFFF, v17;
	v19 =	vand.u32 $0x7FFFFFFF, v19  }
0x4e: {  	v14 =	vand.u32 $0x7FFFFFFF, v14;
	v12 =	vmul.f32 v12, v0;
	v18 =	vnsel vm8, $0x0, v18  }
0x4f: {  	v22 =	vadd.f32 v19, v10;
	v25 =	vadd.f32 v20, v8;
	v18 =	vmin.u32 v18, $0x1869E  }
0x50: {  	v26 =	vadd.f32 v7, v17;
	v21 =	vtrunc.f32 v12;
	v23 =	vadd.s32 $0x1, v18  }
0x51: {  	vm9 =	vgt.f32 v22, $1.000009980e-14;
	v22 =	vadd.s32 $0x4, v18;
	v21 =	vcvt.f32.s32 v21  }
0x52: {  	v24 =	vand.u32 $0x7FFFFFFF, v24;
	v27 =	vadd.s32 $0x5, v18;
	vm10 =	vgt.f32 v25, $1.000009980e-14  }
0x53: {  	vm2 =	vgt.f32 v26, $1.000009980e-14;
	v26 =	vadd.s32 $0x2, v18;
	vm1 =	vgt.s32 v21, $0x0  }
0x54: {  	v28 =	vadd.s32 $0x3, v18;
	v19 =	vnsel vm9, $0x3F800000, v19;
	v21 =	vnsel vm1, $0x0, v21;
	v30 =	vld.idx.msk [tilespmem:v18+s2+$0x0], $0xffff  }
0x55: {  	v20 =	vnsel vm10, $0x3F800000, v20;
	v8 =	vnsel vm10, $0x3F800000, v8;
	v21 =	vmin.u32 v21, $0x1869E;
	v23 =	vld.idx.msk [tilespmem:v23+s2+$0x0], $0xffff  }
0x56: {  	v10 =	vnsel vm9, $0x3F800000, v10;
	v17 =	vnsel vm2, $0x3F800000, v17;
	v22 =	vld.idx.msk [tilespmem:v22+s2+$0x0], $0xffff;
	v25 =	vadd.s32 $0x5, v21  }
0x57: {  	v34 =	vmul.f32 v17, v6;
	v6 =	vadd.f32 v14, v24;
	v27 =	vld.idx.msk [tilespmem:v27+s2+$0x0], $0xffff;
	v29 =	vadd.s32 $0x4, v21  }
0x58: {  	v53 =	vnsel vm2, $0x3F800000, v7;
	v7 =	vmul.f32 v19, v5;
	v5 =	vld.idx.msk [tilespmem:v26+s2+$0x0], $0xffff;
	v31 =	vadd.s32 $0x1, v21  }
0x59: {  	s14 =	simm.s32 $0x2;
	v32 =	vadd.f32 v10, v19;
	vm11 =	vgt.f32 v6, $1.000009980e-14;
	v28 =	vld.idx.msk [tilespmem:v28+s2+$0x0], $0xffff;
	v33 =	vadd.s32 $0x2, v21  }
0x5a: {  	s12 =	simm.s32 $0x4;
	s3 =	smul.u32 $0x4F, s14;
	v6 =	vnsel vm11, $0x3F800000, v14;
	v14 =	vnsel vm11, $0x3F800000, v24;
	v24 =	vadd.s32 $0x3, v21;
	v35 =	vld.idx.msk [tilespmem:v21+s2+$0x0], $0xffff  }
0x5b: {  	s13 =	simm.s32 $0x5;
	s0 =	smulhi.u32 $0x4EC4EC4F, s12;
	v36 =	vadd.f32 v8, v20;
	v10 =	vmul.f32 v10, v11;
	(erf) = vrcp.f32 v32;
	v25 =	vld.idx.msk [tilespmem:v25+s2+$0x0], $0xffff  }
0x5c: {  	s1 =	smulhi.u32 $0x4EC4EC4F, s13;
	v17 =	vadd.f32 v17, v53;
	v9 =	vmul.f32 v20, v9;
	v20 =	vadd.f32 v13, v13;
	v19 =	vld.idx.msk [tilespmem:v29+s2+$0x0], $0xffff  }
0x5d: {  	s0 =	sshrl.u32 s0, $0x2;
	v10 =	vadd.f32 v10, v7;
	(erf) = vrcp.f32 v36;
	v29 =	vsub.f32 v23, v30;
	v30 =	vld.idx.msk [tilespmem:v31+s2+$0x0], $0xffff  }
0x5e: {  	s15 =	sadd.s32 $0x9E, s3;
	s1 =	sshrl.u32 s1, $0x2;
	s0 =	smul.u32 $0xD0, s0;
	v26 =	vmul.f32 v6, v13;
	v21 =	vcvt.s32.f32 v21;
	v31 =	vadd.f32 v14, v6;
	v6 =	vld.idx.msk [tilespmem:v33+s2+$0x0], $0xffff  }
0x5f: {  	s3 =	sadd.s32 $0xED, s3;
	s21 =	sshrl.u32 s15, $0x3;
	s1 =	smul.u32 $0xD0, s1;
	v27 =	vsub.f32 v27, v22;
	v14 =	vmul.f32 v14, v16;
	v24 =	vld.idx.msk [tilespmem:v24+s2+$0x0], $0xffff;
	v16 =	vsub.f32 v5, v23  }
0x60: {  	s8 =	sshrl.u32 s15, $0x2;
	s22 =	sshrl.u32 s3, $0x2;
	s0 =	ssub.s32 $0x40, s0;
	v23 =	vadd.f32 v11, v11;
	v7 =	vsub.f32 v12, v21;
	v12 =	vcvt.s32.f32 v18  }
0x61: {  	s3 =	sshrl.u32 s3, $0x3;
	s1 =	ssub.s32 $0x50, s1;
	p1 =	slt.s32 s0, $0xB8;
	v14 =	vadd.f32 v14, v26;
	(erf) = vrcp.f32 v31;
	v26 =	vsub.f32 v22, v28  }
0x62: {  	s14 =	sand.u32 $0x380, s21;
	s0 =	simm.s32 @!p1 $0xB8;
	p1 =	slt.s32 s1, $0xB8;
	v31 =	vmul.f32 $3.000000000e+00, v11;
	v18 =	vsub.f32 v30, v35;
	v21 =	vsub.f32 v25, v19  }
0x63: {  	s8 =	sand.u32 $0x1800, s8;
	s20 =	sshll.u32 s0, $0x3;
	s1 =	simm.s32 @!p1 $0xB8;
	v25 =	vmul.f32 v8, v13;
	v8 =	vsub.f32 v15, v12;
	v12 =	vsub.f32 v6, v30  }
0x64: {  	s3 =	sand.u32 $0x380, s3;
	s13 =	sand.u32 $0xFFFFFC00, s20;
	s24 =	sshll.u32 s1, $0x3;
	v15 =	vpop (erf);
	(erf) = vrcp.f32 v17;
	v17 =	vsub.f32 v19, v24;
	v19 =	vsub.f32 v27, v26  }
0x65: {  	s24 =	sand.u32 $0xFFFFFC00, s24;
	s8 =	sadd.s32 s8, s13;
	s13 =	sand.u32 $0x1800, s22;
	v10 =	vmul.f32 v15, v10;
	v15 =	vsub.f32 v16, v29;
	v22 =	vadd.f32 v25, v9  }
0x66: {  	s0 =	sand.u32 $0x78, s0;
	s8 =	sor.u32 s14, s8;
	s24 =	sadd.s32 s13, s24;
	v9 =	vsub.f32 v28, v5;
	v25 =	vmul.f32 v53, v11;
	v11 =	vsub.f32 v24, v6  }
0x67: {  	s1 =	sand.u32 $0x78, s1;
	s30 =	sor.u32 s0, s8;
	s0 =	sor.u32 s3, s24;
	v27 =	vmul.f32 $3.000000000e+00, v13;
	v24 =	vsub.f32 v12, v18;
	v21 =	vsub.f32 v21, v17  }
0x68: {  	s31 =	sor.u32 s1, s0;
	v29 =	vld [tilespmem:s30+$0x18700];
	v44 =	vand.u32 $0x7FFFFFFF, v19;
	v28 =	vadd.f32 v10, v10;
	v30 =	vsub.f32 v9, v16  }
0x69: {  	v54 =	vld [tilespmem:s31+$0x18700];
	v13 =	vpop (erf);
	v15 =	vand.u32 $0x7FFFFFFF, v15;
	v25 =	vadd.f32 v34, v25;
	v19 =	vsub.f32 v17, v11  }
0x6a: {  	v55 =	vsub.f32 v26, v9;
	v13 =	vmul.f32 v13, v22;
	v24 =	vand.u32 $0x7FFFFFFF, v24  }
0x6b: {  	v22 =	vand.u32 $0x7FFFFFFF, v21;
	v28 =	vsub.f32 v31, v28;
	v19 =	vand.u32 $0x7FFFFFFF, v19  }
0x6c: {  	v18 =	vpop (erf);
	v31 =	vand.u32 $0x7FFFFFFF, v30;
	v58 =	vand.u32 $0x7FFFFFFF, v55;
	v60 =	vadd.f32 v13, v13  }
0x6d: {  	v56 =	vmul.f32 v18, v14;
	v18 =	vmul.f32 v29, v0;
	v33 =	vadd.f32 v58, v15  }
0x6e: {  	v14 =	vmul.f32 v54, v0;
	v29 =	vsub.f32 v11, v12;
	v27 =	vsub.f32 v27, v60  }
0x6f: {  	v30 =	vadd.f32 v56, v13;
	v57 =	vpop (erf);
	v59 =	vtrunc.f32 v18;
	vm12 =	vgt.f32 v33, $1.000009980e-14  }
0x70: {  	v21 =	vmul.f32 v57, v25;
	v25 =	vtrunc.f32 v14;
	v33 =	vnsel vm12, $0x3F800000, v58  }
0x71: {  	v61 =	vcvt.f32.s32 v59;
	v37 =	vsub.f32 v30, v20;
	v20 =	vcvt.f32.s32 v25  }
0x72: {  	v15 =	vnsel vm12, $0x3F800000, v15;
	v25 =	vadd.f32 v19, v24;
	v30 =	vadd.f32 v44, v31  }
0x73: {  	v38 =	vadd.f32 v21, v10;
	v42 =	vsub.f32 v28, v21;
	vm13 =	vgt.s32 v20, $0x0  }
0x74: {  	vm3 =	vgt.s32 v61, $0x0;
	vm14 =	vgt.f32 v25, $1.000009980e-14;
	v20 =	vnsel vm13, $0x0, v20  }
0x75: {  	vm15 =	vgt.f32 v30, $1.000009980e-14;
	v32 =	vnsel vm3, $0x0, v61;
	v21 =	vmin.u32 v20, $0x1869E  }
0x76: {  	v63 =	vmul.f32 v37, v3;
	v20 =	vnsel vm14, $0x3F800000, v19;
	v19 =	vadd.s32 $0x1, v21  }
0x77: {  	v23 =	vsub.f32 v38, v23;
	v35 =	vnsel vm14, $0x3F800000, v24;
	v25 =	vadd.s32 $0x4, v21  }
0x78: {  	v31 =	vnsel vm15, $0x3F800000, v31;
	v32 =	vmin.u32 v32, $0x1869E;
	v24 =	vsub.f32 v27, v56  }
0x79: {  	v38 =	vmul.f32 v15, v9;
	v62 =	vadd.s32 $0x5, v21;
	v23 =	vmul.f32 v23, v4  }
0x7a: {  	v39 =	vadd.s32 $0x1, v32;
	v36 =	vadd.s32 $0x2, v32;
	v41 =	vadd.s32 $0x4, v32;
	v40 =	vld.idx.msk [tilespmem:v21+s2+$0x0], $0xffff  }
0x7b: {  	v43 =	vadd.s32 $0x5, v32;
	v30 =	vadd.s32 $0x2, v21;
	v45 =	vadd.f32 v23, v42;
	v27 =	vld.idx.msk [tilespmem:v19+s2+$0x0], $0xffff  }
0x7c: {  	v28 =	vadd.s32 $0x3, v21;
	v46 =	vadd.f32 v63, v24;
	v23 =	vld.idx.msk [tilespmem:v25+s2+$0x0], $0xffff;
	v25 =	vadd.f32 v15, v33  }
0x7d: {  	s13 =	simm.s32 $0x6;
	s14 =	simm.s32 $0x7;
	s24 =	sshll.u32 s23, $0x5;
	v42 =	vadd.f32 v35, v20;
	v34 =	vld.idx.msk [tilespmem:v32+s2+$0x0], $0xffff;
	v24 =	vmul.f32 v45, v4;
	v19 =	vmul.f32 v31, v26  }
0x7e: {  	s3 =	simm.s32 $0x50;
	s0 =	simm.s32 $0x4;
	s1 =	simm.s32 $0x40;
	v37 =	vld.idx.msk [tilespmem:v62+s2+$0x0], $0xffff;
	v26 =	vnsel vm15, $0x3F800000, v44;
	v15 =	vmovc v9;
	(erf) = vrcp.f32 v25;
	v25 =	vmul.f32 v46, v3  }
.LBB2_3:
0x7f: {  	s8 =	smulhi.u32 $0x4EC4EC4F, s13;
	v29 =	vand.u32 $0x7FFFFFFF, v29;
	v16 =	vmul.f32 v33, v16;
	v10 =	vadd.f32 v24, v10;
	s12 =	smov.u32 s0;
	s0 =	sadd.s32 $0x2, s0  }
0x80: {  	s7 =	smulhi.u32 $0x4EC4EC4F, s14;
	p1 =	slt.u32 s0, $0xCE;
	v24 =	vld.idx.msk [tilespmem:v43+s2+$0x0], $0xffff;
	v33 =	vadd.f32 v22, v29;
	(erf) = vrcp.f32 v42;
	v13 =	vadd.f32 v25, v13  }
0x81: {  	v35 =	vmul.f32 v35, v11;
	v40 =	vsub.f32 v27, v40;
	s8 =	sshrl.u32 s8, $0x2;
	v25 =	vld.idx.msk [tilespmem:v41+s2+$0x0], $0xffff;
	v10 =	vmul.f32 v10, v4  }
0x82: {  	s7 =	sshrl.u32 s7, $0x2;
	v41 =	vadd.s32 $0x3, v32;
	v4 =	vmovc v8;
	s8 =	smul.u32 $0xD0, s8;
	v39 =	vld.idx.msk [tilespmem:v39+s2+$0x0], $0xffff;
	vm0 =	vgt.f32 v33, $1.000009980e-14;
	v13 =	vmul.f32 v13, v3;
	v3 =	vmovc v7  }
0x83: {  	s3 =	sadd.s32 $0x20, s3;
	s1 =	sadd.s32 $0x20, s1;
	s7 =	smul.u32 $0xD0, s7;
	v7 =	vnsel vm0, $0x3F800000, v22;
	v8 =	vnsel vm0, $0x3F800000, v29;
	v10 =	vadd.f32 v10, v1;
	v1 =	vmovc v5;
	v5 =	vld.idx.msk [tilespmem:v30+s2+$0x0], $0xffff  }
0x84: {  	s12 =	smul.u32 $0x4F, s12;
	s8 =	ssub.s32 s1, s8;
	v22 =	vld.idx.msk [tilespmem:v36+s2+$0x0], $0xffff;
	v29 =	vmul.f32 v7, v11;
	v7 =	vadd.f32 v8, v7;
	v13 =	vadd.f32 v13, v2  }
0x85: {  	v30 =	vcvt.s32.f32 v32;
	s7 =	ssub.s32 s3, s7;
	v8 =	vmul.f32 v8, v17;
	v17 =	vadd.f32 v31, v26;
	v2 =	vmovc v6;
	p2 =	slt.s32 s8, $0xB8;
	[tilespmem:s25+$0x1A700] =	vst v10;
	s25 =	smov.u32 s29  }
0x86: {  	v31 =	vsub.f32 v37, v23;
	v6 =	vadd.f32 v38, v16;
	s29 =	sadd.s32 $0x9E, s12;
	s8 =	simm.s32 @!p2 $0xB8;
	p2 =	slt.s32 s7, $0xB8;
	v28 =	vld.idx.msk [tilespmem:v28+s2+$0x0], $0xffff;
	(erf) = vrcp.f32 v7;
	[tilespmem:s26+$0x1A700] =	vst v13  }
0x87: {  	v10 =	vcvt.s32.f32 v21;
	s15 =	sshrl.u32 s29, $0x3;
	v7 =	vsub.f32 v18, v30;
	v18 =	vadd.f32 v8, v29;
	s26 =	sshll.u32 s8, $0x3;
	s7 =	simm.s32 @!p2 $0xB8;
	v13 =	vld.idx.msk [tilespmem:v41+s2+$0x0], $0xffff;
	v21 =	vpop (erf)  }
0x88: {  	v24 =	vsub.f32 v24, v25;
	s15 =	sand.u32 $0x380, s15;
	v29 =	vsub.f32 v39, v34;
	s26 =	sand.u32 $0xFFFFFC00, s26;
	s20 =	sshll.u32 s7, $0x3;
	(erf) = vrcp.f32 v17  }
0x89: {  	s12 =	sadd.s32 $0xED, s12;
	s29 =	sshrl.u32 s29, $0x2;
	v8 =	vsub.f32 v14, v10;
	v14 =	vmul.f32 v20, v12;
	v16 =	vsub.f32 v5, v27;
	s20 =	sand.u32 $0xFFFFFC00, s20;
	v20 =	vpop (erf)  }
0x8a: {  	s21 =	sshrl.u32 s12, $0x3;
	s8 =	sand.u32 $0x78, s8;
	s29 =	sand.u32 $0x1800, s29;
	v10 =	vmul.f32 v21, v6;
	v27 =	vadd.f32 v15, v9;
	v12 =	vsub.f32 v22, v39;
	v6 =	vmovc v22  }
0x8b: {  	s12 =	sshrl.u32 s12, $0x2;
	v30 =	vadd.f32 v11, v11;
	s7 =	sand.u32 $0x78, s7;
	s26 =	sadd.s32 s29, s26;
	v21 =	vsub.f32 v16, v40  }
0x8c: {  	s12 =	sand.u32 $0x1800, s12;
	v14 =	vadd.f32 v35, v14;
	s15 =	sor.u32 s15, s26;
	s26 =	smov.u32 s28;
	v34 =	vsub.f32 v23, v28  }
0x8d: {  	v22 =	vmul.f32 v26, v9;
	s12 =	sadd.s32 s12, s20;
	s8 =	sor.u32 s8, s15;
	s15 =	sand.u32 $0x380, s21;
	v15 =	vsub.f32 v28, v5;
	v23 =	vadd.f32 v10, v10  }
0x8e: {  	s28 =	smov.u32 s30;
	v28 =	vmul.f32 $3.000000000e+00, v11;
	s12 =	sor.u32 s15, s12;
	v17 =	vsub.f32 v25, v13;
	s30 =	smov.u32 s8;
	v25 =	vsub.f32 v31, v34;
	v26 =	vld [tilespmem:s8+$0x18700]  }
0x8f: {  	s29 =	smov.u32 s31;
	v19 =	vadd.f32 v19, v22;
	v22 =	vmul.f32 $3.000000000e+00, v9;
	v31 =	vsub.f32 v15, v16;
	s31 =	sor.u32 s7, s12;
	v32 =	vpop (erf)  }
0x90: {  	v29 =	vsub.f32 v12, v29;
	v11 =	vsub.f32 v13, v6;
	v36 =	vand.u32 $0x7FFFFFFF, v21;
	v9 =	vmovc v15;
	v33 =	vld [tilespmem:s31+$0x18700]  }
0x91: {  	v13 =	vmul.f32 v20, v14;
	v21 =	vsub.f32 v34, v9;
	v25 =	vand.u32 $0x7FFFFFFF, v25;
	v20 =	vpop (erf)  }
0x92: {  	v14 =	vsub.f32 v17, v11;
	v24 =	vsub.f32 v24, v17;
	v37 =	vmul.f32 v32, v18  }
0x93: {  	v23 =	vsub.f32 v22, v23;
	v18 =	vmul.f32 v26, v0;
	v26 =	vand.u32 $0x7FFFFFFF, v29  }
0x94: {  	v31 =	vand.u32 $0x7FFFFFFF, v31;
	v32 =	vand.u32 $0x7FFFFFFF, v14;
	v35 =	vadd.f32 v37, v13  }
0x95: {  	v21 =	vand.u32 $0x7FFFFFFF, v21;
	v29 =	vsub.f32 v11, v12;
	v14 =	vmul.f32 v33, v0  }
0x96: {  	v22 =	vand.u32 $0x7FFFFFFF, v24;
	v19 =	vmul.f32 v20, v19;
	v38 =	vtrunc.f32 v18  }
0x97: {  	v24 =	vadd.f32 v21, v36;
	v40 =	vsub.f32 v35, v30;
	v20 =	vtrunc.f32 v14  }
0x98: {  	v30 =	vadd.f32 v32, v26;
	v35 =	vadd.f32 v13, v13;
	v20 =	vcvt.f32.s32 v20  }
0x99: {  	vm1 =	vgt.f32 v24, $1.000009980e-14;
	v24 =	vadd.f32 v25, v31;
	v39 =	vadd.f32 v19, v10  }
0x9a: {  	v19 =	vsub.f32 v23, v19;
	v33 =	vnsel vm1, $0x3F800000, v21;
	vm0 =	vgt.s32 v20, $0x0  }
0x9b: {  	v23 =	vcvt.f32.s32 v38;
	vm2 =	vgt.f32 v30, $1.000009980e-14;
	v20 =	vnsel vm0, $0x0, v20  }
0x9c: {  	vm0 =	vgt.f32 v24, $1.000009980e-14;
	v21 =	vmin.u32 v20, $0x1869E;
	v20 =	vnsel vm2, $0x3F800000, v32  }
0x9d: {  	v27 =	vsub.f32 v39, v27;
	v24 =	vadd.s32 $0x1, v21;
	v30 =	vadd.s32 $0x2, v21  }
0x9e: {  	v39 =	vsub.f32 v28, v35;
	v38 =	vadd.s32 $0x4, v21;
	v42 =	vadd.s32 $0x5, v21  }
0x9f: {  	vm3 =	vgt.s32 v23, $0x0;
	v44 =	vmul.f32 v27, v4;
	v28 =	vadd.s32 $0x3, v21  }
0xa0: {  	v35 =	vnsel vm2, $0x3F800000, v26;
	v23 =	vnsel vm3, $0x0, v23;
	v31 =	vnsel vm0, $0x3F800000, v31  }
0xa1: {  	v26 =	vnsel vm1, $0x3F800000, v36;
	v37 =	vsub.f32 v39, v37;
	v32 =	vmin.u32 v23, $0x1869E  }
.Ltmp0:
0xa2: {  	v39 =	vadd.s32 $0x1, v32;
	v36 =	vadd.s32 $0x2, v32;
	v27 =	vld.idx.msk [tilespmem:v24+s2+$0x0], $0xffff;
	v24 =	vmul.f32 v40, v3;
	(pc) =	sbr.rel @p1 .LBB2_3-.Ltmp0, $4  }
0xa3: {  	v44 =	vadd.f32 v44, v19;
	v41 =	vadd.s32 $0x4, v32;
	v43 =	vadd.s32 $0x5, v32;
	v40 =	vld.idx.msk [tilespmem:v21+s2+$0x0], $0xffff  }
0xa4: {  	v45 =	vadd.f32 v26, v33;
	v19 =	vmul.f32 v31, v34;
	v23 =	vld.idx.msk [tilespmem:v38+s2+$0x0], $0xffff;
	v46 =	vadd.f32 v24, v37  }
0xa5: {  	v38 =	vmul.f32 v26, v9;
	v24 =	vmul.f32 v44, v4;
	v37 =	vld.idx.msk [tilespmem:v42+s2+$0x0], $0xffff;
	v42 =	vadd.f32 v35, v20  }
0xa6: {  	s13 =	sadd.s32 $0x2, s13;
	s14 =	sadd.s32 $0x2, s14;
	v26 =	vnsel vm0, $0x3F800000, v25;
	v34 =	vld.idx.msk [tilespmem:v32+s2+$0x0], $0xffff;
	(erf) = vrcp.f32 v45;
	v25 =	vmul.f32 v46, v3  }
0xa7: {  	_ =	sdelay $0x3  }
0xa8: {  	v29 =	vand.u32 $0x7FFFFFFF, v29;
	v43 =	vld.idx.msk [tilespmem:v43+s2+$0x0], $0xffff;
	v59 =	vadd.s32 $0x3, v32;
	v33 =	vmul.f32 v33, v16  }
0xa9: {  	v41 =	vld.idx.msk [tilespmem:v41+s2+$0x0], $0xffff;
	v31 =	vadd.f32 v31, v26;
	v35 =	vmul.f32 v35, v11;
	v12 =	vmul.f32 v20, v12  }
0xaa: {  	v39 =	vld.idx.msk [tilespmem:v39+s2+$0x0], $0xffff;
	v63 =	vadd.f32 v11, v11;
	v26 =	vmul.f32 v26, v9;
	v44 =	vadd.f32 v22, v29  }
0xab: {  	v16 =	vld.idx.msk [tilespmem:v30+s2+$0x0], $0xffff;
	(erf) = vrcp.f32 v42;
	v40 =	vsub.f32 v27, v40;
	v33 =	vadd.f32 v38, v33  }
0xac: {  	v28 =	vld.idx.msk [tilespmem:v28+s2+$0x0], $0xffff;
	v12 =	vadd.f32 v35, v12;
	v19 =	vadd.f32 v19, v26;
	vm0 =	vgt.f32 v44, $1.000009980e-14  }
0xad: {  	v26 =	vmul.f32 $3.000000000e+00, v9;
	v9 =	vadd.f32 v15, v9;
	v29 =	vnsel vm0, $0x3F800000, v29  }
0xae: {  	v61 =	vsub.f32 v37, v23;
	v30 =	vnsel vm0, $0x3F800000, v22;
	v60 =	vmul.f32 v29, v17  }
0xaf: {  	v29 =	vadd.f32 v29, v30;
	v30 =	vmul.f32 v30, v11;
	v34 =	vsub.f32 v39, v34  }
0xb0: {  	v22 =	vld.idx.msk [tilespmem:v36+s2+$0x0], $0xffff;
	v17 =	vcvt.s32.f32 v32;
	v27 =	vsub.f32 v16, v27;
	v62 =	vsub.f32 v43, v41  }
0xb1: {  	v21 =	vcvt.s32.f32 v21;
	v23 =	vsub.f32 v23, v28;
	v28 =	vsub.f32 v28, v16  }
0xb2: {  	v11 =	vmul.f32 $3.000000000e+00, v11;
	v17 =	vsub.f32 v18, v17;
	v18 =	vld.idx.msk [tilespmem:v59+s2+$0x0], $0xffff;
	v30 =	vadd.f32 v60, v30  }
0xb3: {  	(erf) = vrcp.f32 v29;
	v29 =	vsub.f32 v27, v40;
	v47 =	vsub.f32 v23, v28  }
0xb4: {  	v32 =	vsub.f32 v61, v23;
	v46 =	vsub.f32 v28, v27;
	v45 =	vpop (erf);
	(erf) = vrcp.f32 v31  }
0xb5: {  	v20 =	vsub.f32 v22, v39;
	v29 =	vand.u32 $0x7FFFFFFF, v29;
	v38 =	vand.u32 $0x7FFFFFFF, v47  }
0xb6: {  	v33 =	vmul.f32 v45, v33;
	v32 =	vand.u32 $0x7FFFFFFF, v32;
	v50 =	vadd.f32 v38, v29  }
0xb7: {  	v49 =	vpop (erf);
	v35 =	vand.u32 $0x7FFFFFFF, v46;
	v31 =	vsub.f32 v41, v18;
	v18 =	vsub.f32 v18, v22  }
0xb8: {  	v12 =	vmul.f32 v49, v12;
	v53 =	vadd.f32 v32, v35;
	v34 =	vsub.f32 v20, v34  }
0xb9: {  	v60 =	vadd.f32 v33, v33;
	vm14 =	vgt.f32 v50, $1.000009980e-14;
	v48 =	vsub.f32 v31, v18  }
0xba: {  	vm2 =	vgt.f32 v53, $1.000009980e-14;
	v36 =	vsub.f32 v62, v31;
	v51 =	vsub.f32 v18, v20  }
0xbb: {  	v34 =	vand.u32 $0x7FFFFFFF, v34;
	v38 =	vnsel vm14, $0x3F800000, v38;
	v39 =	vand.u32 $0x7FFFFFFF, v48  }
0xbc: {  	v36 =	vand.u32 $0x7FFFFFFF, v36;
	v40 =	vand.u32 $0x7FFFFFFF, v51;
	v52 =	vadd.f32 v39, v34  }
0xbd: {  	v29 =	vnsel vm14, $0x3F800000, v29;
	v35 =	vnsel vm2, $0x3F800000, v35;
	v54 =	vadd.f32 v36, v40  }
0xbe: {  	v32 =	vnsel vm2, $0x3F800000, v32;
	v55 =	vadd.f32 v29, v38;
	vm1 =	vgt.f32 v52, $1.000009980e-14  }
0xbf: {  	vm15 =	vgt.f32 v54, $1.000009980e-14;
	v39 =	vnsel vm1, $0x3F800000, v39;
	v34 =	vnsel vm1, $0x3F800000, v34  }
0xc0: {  	v57 =	vpop (erf);
	v36 =	vnsel vm15, $0x3F800000, v36;
	v40 =	vnsel vm15, $0x3F800000, v40;
	v56 =	vadd.f32 v34, v39  }
0xc1: {  	(erf) = vrcp.f32 v55;
	v30 =	vmul.f32 v57, v30;
	v61 =	vpop (erf);
	v58 =	vadd.f32 v40, v36  }
0xc2: {  	v59 =	vadd.f32 v35, v32;
	v15 =	vmul.f32 v61, v19;
	(erf) = vrcp.f32 v56  }
0xc3: {  	v19 =	vsub.f32 v26, v60;
	v26 =	vadd.f32 v12, v12;
	(erf) = vrcp.f32 v58  }
0xc4: {  	v62 =	vadd.f32 v30, v12;
	(erf) = vrcp.f32 v59  }
0xc5: {  	v14 =	vsub.f32 v14, v21;
	v11 =	vsub.f32 v11, v26  }
0xc6: {  	v26 =	vmul.f32 v38, v27;
	v21 =	vsub.f32 v62, v63;
	v63 =	vadd.f32 v15, v33  }
0xc7: {  	v15 =	vsub.f32 v19, v15;
	v19 =	vmul.f32 v35, v23;
	v23 =	vmul.f32 v29, v28  }
0xc8: {  	v27 =	vmul.f32 v34, v18;
	v41 =	vmul.f32 v36, v18  }
0xc9: {  	v20 =	vmul.f32 v39, v20;
	v11 =	vsub.f32 v11, v30;
	v30 =	vmul.f32 v40, v31  }
0xca: {  	v32 =	vmul.f32 v32, v28;
	v23 =	vadd.f32 v23, v26;
	v29 =	vpop (erf)  }
0xcb: {  	v20 =	vadd.f32 v27, v20;
	v30 =	vadd.f32 v30, v41;
	v31 =	vpop (erf)  }
0xcc: {  	v19 =	vadd.f32 v19, v32;
	v23 =	vmul.f32 v29, v23;
	v26 =	vpop (erf)  }
0xcd: {  	v9 =	vsub.f32 v63, v9;
	v20 =	vmul.f32 v31, v20;
	v27 =	vpop (erf);
	v26 =	vmul.f32 v26, v30  }
0xce: {  	v29 =	vadd.f32 v28, v28;
	v19 =	vmul.f32 v27, v19;
	v27 =	vadd.f32 v18, v18  }
0xcf: {  	v18 =	vmul.f32 $3.000000000e+00, v18;
	v43 =	vadd.f32 v20, v20;
	v42 =	vadd.f32 v26, v20  }
0xd0: {  	v28 =	vmul.f32 $3.000000000e+00, v28;
	v30 =	vadd.f32 v23, v23;
	v31 =	vadd.f32 v19, v23  }
0xd1: {  	v21 =	vmul.f32 v21, v7;
	v18 =	vsub.f32 v18, v43;
	v27 =	vsub.f32 v42, v27  }
0xd2: {  	v9 =	vmul.f32 v9, v8;
	v28 =	vsub.f32 v28, v30;
	v29 =	vsub.f32 v31, v29  }
0xd3: {  	v11 =	vadd.f32 v21, v11;
	v18 =	vsub.f32 v18, v26;
	v21 =	vmul.f32 v27, v17  }
0xd4: {  	v9 =	vadd.f32 v9, v15;
	v15 =	vsub.f32 v28, v19;
	v19 =	vmul.f32 v29, v14  }
0xd5: {  	v13 =	vadd.f32 v25, v13;
	v11 =	vmul.f32 v11, v7;
	v18 =	vadd.f32 v21, v18  }
0xd6: {  	v10 =	vadd.f32 v24, v10;
	v9 =	vmul.f32 v9, v8;
	v15 =	vadd.f32 v19, v15  }
0xd7: {  	v3 =	vmul.f32 v13, v3;
	v11 =	vadd.f32 v11, v12;
	v12 =	vmul.f32 v18, v17  }
0xd8: {  	v4 =	vmul.f32 v10, v4;
	v9 =	vadd.f32 v9, v33;
	v10 =	vmul.f32 v15, v14  }
0xd9: {  	v2 =	vadd.f32 v3, v2;
	v3 =	vmul.f32 v11, v7;
	v7 =	vadd.f32 v12, v20  }
0xda: {  	v1 =	vadd.f32 v4, v1;
	v4 =	vmul.f32 v9, v8;
	v8 =	vadd.f32 v10, v23  }
0xdb: {  	[tilespmem:s26+$0x1A700] =	vst v2;
	v2 =	vadd.f32 v3, v6;
	v3 =	vmul.f32 v7, v17  }
0xdc: {  	[tilespmem:s25+$0x1A700] =	vst v1;
	v1 =	vadd.f32 v4, v5;
	v4 =	vmul.f32 v8, v14  }
0xdd: {  	p1 =	seq.s32 s23, $0xF;
	[tilespmem:s28+$0x1A700] =	vst v2;
	v2 =	vadd.f32 v3, v22  }
0xde: {  	s0 =	sadd.s32 @!p1 s24, s9;
	[tilespmem:s29+$0x1A700] =	vst v1;
	v1 =	vadd.f32 v4, v16  }
0xdf: {  	s20 =	sshll.u32 s23, $0xA;
	s0 =	sshll.u32 @!p1 s0, $0x5;
	[tilespmem:s30+$0x1A700] =	vst v2  }
0xe0: {  	s1 =	simm.s32 @!p1 $0x0;
	s3 =	simm.s32 @!p1 $0x18700;
	s0 =	sadd.s32 @!p1 s5, s0;
	[tilespmem:s31+$0x1A700] =	vst v1  }
0xe1: {  	[tilespmem:s3], [sflag:$0x2] =	stream.linear.gather @!p1 [hbm4b:s0+s1], $0x1000, $0x38;
	[tilespmem:$0x1C700] =	vst v63  }
0xe2: {  	s21 =	simm.s32 $0x1;
	s0 =	sadd.s32 s20, s10  }
0xe3: {  	[hbm4b:s0+s2] =	stream.linear.scatter [tilespmem:s17], [sflag:$0x4], $0x1000, $0x38;
	[tilespmem:$0x1C700] =	vst v63  }
0xe4: {  	s0 =	smulhi.u32 $0x4EC4EC4F, s21  }
0xe5: {  	s22 =	simm.s32 $0x0;
	s7 =	simm.s32 $0xFFFFFFFE;
	_ =	swait.ge [sflag:s18], $0x1000  }
0xe6: {  	s7 =	smul.u32 $0x4F, s7;
	[sflag:s18] =	ssyncset.done $0x0;
	s0 =	sshrl.u32 s0, $0x2  }
0xe7: {  	s1 =	simm.s32 @!p0 $0x5;
	[sflag:s18] =	ssyncadd.s32 $0xFFFFF000;
	s0 =	smul.u32 $0xD0, s0  }
0xe8: {  	s3 =	smulhi.u32 $0x4EC4EC4F, s22;
	_ =	swait.ge @!p0 [sflag:s1], $0x1000  }
0xe9: {  	s26 =	sadd.s32 $0xED, s7;
	[sflag:s1] =	ssyncset.done @!p0 $0x0;
	s0 =	ssub.s32 $0x10, s0  }
0xea: {  	s25 =	sshrl.u32 s3, $0x2;
	[sflag:s1] =	ssyncadd.s32 @!p0 $0xFFFFF000;
	p0 =	slt.s32 s0, $0xB8  }
0xeb: {  	s12 =	sshrl.u32 s26, $0x2;
	s1 =	smul.u32 $0xD0, s25;
	s0 =	simm.s32 @!p0 $0xB8  }
0xec: {  	s7 =	sadd.s32 $0x9E, s7;
	s12 =	sand.u32 $0x1800, s12;
	s8 =	sshll.u32 s0, $0x3  }
0xed: {  	s3 =	sshrl.u32 s26, $0x3;
	s1 =	ssub.s32 $0x0, s1;
	s8 =	sand.u32 $0xFFFFFC00, s8  }
0xee: {  	s3 =	sand.u32 $0x380, s3;
	p0 =	slt.s32 s1, $0xB8;
	s8 =	sadd.s32 s12, s8  }
0xef: {  	s0 =	sand.u32 $0x78, s0;
	s1 =	simm.s32 @!p0 $0xB8;
	s3 =	sor.u32 s3, s8  }
0xf0: {  	s12 =	sshrl.u32 s7, $0x2;
	s8 =	sshll.u32 s1, $0x3;
	s25 =	sor.u32 s0, s3  }
0xf1: {  	s7 =	sshrl.u32 s7, $0x3;
	s0 =	sand.u32 $0xFFFFFC00, s8;
	s3 =	sand.u32 $0x1800, s12;
	v1 =	vld [tilespmem:s25+$0x19700]  }
0xf2: {  	s7 =	sand.u32 $0x380, s7;
	s0 =	sadd.s32 s3, s0  }
0xf3: {  	s1 =	sand.u32 $0x78, s1;
	s0 =	sor.u32 s7, s0  }
0xf4: {  	s26 =	sor.u32 s1, s0  }
0xf5: {  	v2 =	vld [tilespmem:s26+$0x19700]  }
0xf6: {  	v4 =	vmul.f32 v1, v0;
	_ =	sdelay $0x1  }
0xf7: {  	v1 =	vtrunc.f32 v4  }
0xf8: {  	v1 =	vcvt.f32.s32 v1  }
0xf9: {  	v3 =	vmul.f32 v2, v0  }
0xfa: {  	vm4 =	vgt.s32 v1, $0x0  }
0xfb: {  	v2 =	vtrunc.f32 v3;
	v1 =	vnsel vm4, $0x0, v1  }
0xfc: {  	s13 =	simm.s32 $0x3;
	v5 =	vmin.u32 v1, $0x1869E;
	v1 =	vcvt.f32.s32 v2  }
0xfd: {  	s0 =	smulhi.u32 $0x4EC4EC4F, s13;
	v2 =	vadd.s32 $0x1, v5  }
0xfe: {  	v6 =	vadd.s32 $0x4, v5;
	vm5 =	vgt.s32 v1, $0x0  }
0xff: {  	s0 =	sshrl.u32 s0, $0x2;
	v7 =	vadd.s32 $0x5, v5;
	v1 =	vnsel vm5, $0x0, v1  }
0x100: {  	s0 =	smul.u32 $0xD0, s0;
	v8 =	vmin.u32 v1, $0x1869E  }
0x101: {  	s15 =	simm.s32 $0x0;
	v1 =	vadd.s32 $0x5, v8;
	v10 =	vld.idx.msk [tilespmem:v5+s2+$0x0], $0xffff  }
0x102: {  	s3 =	smul.u32 $0x4F, s15;
	s0 =	ssub.s32 $0x30, s0;
	v11 =	vadd.s32 $0x1, v8;
	v9 =	vld.idx.msk [tilespmem:v2+s2+$0x0], $0xffff  }
0x103: {  	p0 =	slt.s32 s0, $0xB8;
	v12 =	vadd.s32 $0x2, v5;
	v6 =	vld.idx.msk [tilespmem:v6+s2+$0x0], $0xffff  }
0x104: {  	s20 =	sadd.s32 $0xED, s3;
	s0 =	simm.s32 @!p0 $0xB8;
	v15 =	vadd.s32 $0x3, v5;
	v7 =	vld.idx.msk [tilespmem:v7+s2+$0x0], $0xffff  }
0x105: {  	s14 =	simm.s32 $0x2;
	s22 =	sshrl.u32 s20, $0x2;
	s21 =	sshll.u32 s0, $0x3;
	v14 =	vld.idx.msk [tilespmem:v8+s2+$0x0], $0xffff  }
0x106: {  	s7 =	sshrl.u32 s20, $0x3;
	s12 =	sand.u32 $0x1800, s22;
	s8 =	sand.u32 $0xFFFFFC00, s21;
	v2 =	vadd.s32 $0x4, v8;
	v16 =	vld.idx.msk [tilespmem:v1+s2+$0x0], $0xffff  }
0x107: {  	s1 =	smulhi.u32 $0x4EC4EC4F, s14;
	s7 =	sand.u32 $0x380, s7;
	s8 =	sadd.s32 s12, s8;
	v13 =	vadd.s32 $0x2, v8;
	v11 =	vld.idx.msk [tilespmem:v11+s2+$0x0], $0xffff  }
0x108: {  	s0 =	sand.u32 $0x78, s0;
	s7 =	sor.u32 s7, s8;
	v18 =	vadd.s32 $0x3, v8;
	v1 =	vld.idx.msk [tilespmem:v12+s2+$0x0], $0xffff  }
0x109: {  	s1 =	sshrl.u32 s1, $0x2;
	s29 =	sor.u32 s0, s7;
	v12 =	vld.idx.msk [tilespmem:v15+s2+$0x0], $0xffff  }
0x10a: {  	s1 =	smul.u32 $0xD0, s1;
	v15 =	vld [tilespmem:s29+$0x19700]  }
0x10b: {  	v5 =	vcvt.s32.f32 v5;
	v17 =	vld.idx.msk [tilespmem:v2+s2+$0x0], $0xffff  }
0x10c: {  	s1 =	ssub.s32 $0x20, s1;
	v8 =	vcvt.s32.f32 v8;
	v2 =	vld.idx.msk [tilespmem:v13+s2+$0x0], $0xffff  }
0x10d: {  	p0 =	slt.s32 s1, $0xB8;
	v4 =	vsub.f32 v4, v5;
	v13 =	vld.idx.msk [tilespmem:v18+s2+$0x0], $0xffff;
	v10 =	vsub.f32 v9, v10  }
0x10e: {  	s3 =	sadd.s32 $0x9E, s3;
	s1 =	simm.s32 @!p0 $0xB8;
	v7 =	vsub.f32 v7, v6;
	v3 =	vsub.f32 v3, v8  }
0x10f: {  	s14 =	sshrl.u32 s3, $0x2;
	s13 =	sshll.u32 s1, $0x3;
	v8 =	vsub.f32 v11, v14;
	v5 =	vsub.f32 v1, v9  }
0x110: {  	s3 =	sshrl.u32 s3, $0x3;
	s0 =	sand.u32 $0xFFFFFC00, s13;
	s7 =	sand.u32 $0x1800, s14;
	v6 =	vsub.f32 v6, v12;
	v14 =	vsub.f32 v16, v17  }
0x111: {  	s3 =	sand.u32 $0x380, s3;
	s0 =	sadd.s32 s7, s0;
	v9 =	vsub.f32 v2, v11;
	v11 =	vsub.f32 v12, v1  }
0x112: {  	s1 =	sand.u32 $0x78, s1;
	s0 =	sor.u32 s3, s0;
	v15 =	vmul.f32 v15, v0;
	v16 =	vsub.f32 v17, v13;
	v13 =	vsub.f32 v13, v2  }
0x113: {  	s28 =	sor.u32 s1, s0;
	v10 =	vsub.f32 v5, v10;
	v7 =	vsub.f32 v7, v6  }
0x114: {  	v12 =	vld [tilespmem:s28+$0x19700];
	v18 =	vtrunc.f32 v15;
	v17 =	vsub.f32 v11, v5;
	v8 =	vsub.f32 v9, v8  }
0x115: {  	v19 =	vsub.f32 v6, v11;
	v18 =	vcvt.f32.s32 v18;
	v20 =	vsub.f32 v16, v13  }
0x116: {  	v14 =	vsub.f32 v14, v16;
	v24 =	vsub.f32 v13, v9;
	v10 =	vand.u32 $0x7FFFFFFF, v10  }
0x117: {  	v7 =	vand.u32 $0x7FFFFFFF, v7;
	v8 =	vand.u32 $0x7FFFFFFF, v8;
	vm6 =	vgt.s32 v18, $0x0  }
0x118: {  	v20 =	vand.u32 $0x7FFFFFFF, v20;
	v17 =	vand.u32 $0x7FFFFFFF, v17;
	v19 =	vand.u32 $0x7FFFFFFF, v19  }
0x119: {  	v14 =	vand.u32 $0x7FFFFFFF, v14;
	v12 =	vmul.f32 v12, v0;
	v18 =	vnsel vm6, $0x0, v18  }
0x11a: {  	v22 =	vadd.f32 v19, v10;
	v25 =	vadd.f32 v20, v8;
	v18 =	vmin.u32 v18, $0x1869E  }
0x11b: {  	v26 =	vadd.f32 v7, v17;
	v21 =	vtrunc.f32 v12;
	v23 =	vadd.s32 $0x1, v18  }
0x11c: {  	vm7 =	vgt.f32 v22, $1.000009980e-14;
	v22 =	vadd.s32 $0x4, v18;
	v21 =	vcvt.f32.s32 v21  }
0x11d: {  	v24 =	vand.u32 $0x7FFFFFFF, v24;
	v27 =	vadd.s32 $0x5, v18;
	vm9 =	vgt.f32 v25, $1.000009980e-14  }
0x11e: {  	vm10 =	vgt.f32 v26, $1.000009980e-14;
	v26 =	vadd.s32 $0x2, v18;
	vm8 =	vgt.s32 v21, $0x0  }
0x11f: {  	v28 =	vadd.s32 $0x3, v18;
	v19 =	vnsel vm7, $0x3F800000, v19;
	v21 =	vnsel vm8, $0x0, v21;
	v30 =	vld.idx.msk [tilespmem:v18+s2+$0x0], $0xffff  }
0x120: {  	v20 =	vnsel vm9, $0x3F800000, v20;
	v8 =	vnsel vm9, $0x3F800000, v8;
	v21 =	vmin.u32 v21, $0x1869E;
	v23 =	vld.idx.msk [tilespmem:v23+s2+$0x0], $0xffff  }
0x121: {  	v10 =	vnsel vm7, $0x3F800000, v10;
	v17 =	vnsel vm10, $0x3F800000, v17;
	v22 =	vld.idx.msk [tilespmem:v22+s2+$0x0], $0xffff;
	v25 =	vadd.s32 $0x5, v21  }
0x122: {  	v46 =	vmul.f32 v17, v6;
	v6 =	vadd.f32 v14, v24;
	v27 =	vld.idx.msk [tilespmem:v27+s2+$0x0], $0xffff;
	v29 =	vadd.s32 $0x4, v21  }
0x123: {  	v49 =	vnsel vm10, $0x3F800000, v7;
	v7 =	vmul.f32 v19, v5;
	v5 =	vld.idx.msk [tilespmem:v26+s2+$0x0], $0xffff;
	v31 =	vadd.s32 $0x1, v21  }
0x124: {  	s21 =	simm.s32 $0x2;
	v44 =	vadd.f32 v10, v19;
	vm11 =	vgt.f32 v6, $1.000009980e-14;
	v28 =	vld.idx.msk [tilespmem:v28+s2+$0x0], $0xffff;
	v45 =	vadd.s32 $0x2, v21  }
0x125: {  	s15 =	simm.s32 $0x4;
	s3 =	smul.u32 $0x4F, s21;
	v6 =	vnsel vm11, $0x3F800000, v14;
	v14 =	vnsel vm11, $0x3F800000, v24;
	v24 =	vadd.s32 $0x3, v21;
	v47 =	vld.idx.msk [tilespmem:v21+s2+$0x0], $0xffff  }
0x126: {  	s20 =	simm.s32 $0x5;
	s0 =	smulhi.u32 $0x4EC4EC4F, s15;
	v48 =	vadd.f32 v8, v20;
	v10 =	vmul.f32 v10, v11;
	(erf) = vrcp.f32 v44;
	v25 =	vld.idx.msk [tilespmem:v25+s2+$0x0], $0xffff  }
0x127: {  	s1 =	smulhi.u32 $0x4EC4EC4F, s20;
	v17 =	vadd.f32 v17, v49;
	v9 =	vmul.f32 v20, v9;
	v20 =	vadd.f32 v13, v13;
	v19 =	vld.idx.msk [tilespmem:v29+s2+$0x0], $0xffff  }
0x128: {  	s0 =	sshrl.u32 s0, $0x2;
	v10 =	vadd.f32 v10, v7;
	(erf) = vrcp.f32 v48;
	v29 =	vsub.f32 v23, v30;
	v30 =	vld.idx.msk [tilespmem:v31+s2+$0x0], $0xffff  }
0x129: {  	s22 =	sadd.s32 $0x9E, s3;
	s1 =	sshrl.u32 s1, $0x2;
	s0 =	smul.u32 $0xD0, s0;
	v26 =	vmul.f32 v6, v13;
	v21 =	vcvt.s32.f32 v21;
	v31 =	vadd.f32 v14, v6;
	v6 =	vld.idx.msk [tilespmem:v45+s2+$0x0], $0xffff  }
0x12a: {  	s3 =	sadd.s32 $0xED, s3;
	s15 =	sshrl.u32 s22, $0x3;
	s1 =	smul.u32 $0xD0, s1;
	v27 =	vsub.f32 v27, v22;
	v14 =	vmul.f32 v14, v16;
	v24 =	vld.idx.msk [tilespmem:v24+s2+$0x0], $0xffff;
	v16 =	vsub.f32 v5, v23  }
0x12b: {  	s7 =	sshrl.u32 s22, $0x2;
	s20 =	sshrl.u32 s3, $0x2;
	s0 =	ssub.s32 $0x40, s0;
	v23 =	vadd.f32 v11, v11;
	v7 =	vsub.f32 v12, v21;
	v12 =	vcvt.s32.f32 v18  }
0x12c: {  	s3 =	sshrl.u32 s3, $0x3;
	s1 =	ssub.s32 $0x50, s1;
	p0 =	slt.s32 s0, $0xB8;
	v14 =	vadd.f32 v14, v26;
	(erf) = vrcp.f32 v31;
	v26 =	vsub.f32 v22, v28  }
0x12d: {  	s12 =	sand.u32 $0x380, s15;
	s0 =	simm.s32 @!p0 $0xB8;
	p0 =	slt.s32 s1, $0xB8;
	v31 =	vmul.f32 $3.000000000e+00, v11;
	v18 =	vsub.f32 v30, v47;
	v21 =	vsub.f32 v25, v19  }
0x12e: {  	s7 =	sand.u32 $0x1800, s7;
	s14 =	sshll.u32 s0, $0x3;
	s1 =	simm.s32 @!p0 $0xB8;
	v25 =	vmul.f32 v8, v13;
	v8 =	vsub.f32 v15, v12;
	v12 =	vsub.f32 v6, v30  }
0x12f: {  	s3 =	sand.u32 $0x380, s3;
	s8 =	sand.u32 $0xFFFFFC00, s14;
	s13 =	sshll.u32 s1, $0x3;
	v15 =	vpop (erf);
	(erf) = vrcp.f32 v17;
	v17 =	vsub.f32 v19, v24;
	v19 =	vsub.f32 v27, v26  }
0x130: {  	s13 =	sand.u32 $0xFFFFFC00, s13;
	s7 =	sadd.s32 s7, s8;
	s8 =	sand.u32 $0x1800, s20;
	v10 =	vmul.f32 v15, v10;
	v15 =	vsub.f32 v16, v29;
	v22 =	vadd.f32 v25, v9  }
0x131: {  	s0 =	sand.u32 $0x78, s0;
	s7 =	sor.u32 s12, s7;
	s21 =	sadd.s32 s8, s13;
	v9 =	vsub.f32 v28, v5;
	v25 =	vmul.f32 v49, v11;
	v11 =	vsub.f32 v24, v6  }
0x132: {  	s1 =	sand.u32 $0x78, s1;
	s30 =	sor.u32 s0, s7;
	s0 =	sor.u32 s3, s21;
	v27 =	vmul.f32 $3.000000000e+00, v13;
	v24 =	vsub.f32 v12, v18;
	v21 =	vsub.f32 v21, v17  }
0x133: {  	s31 =	sor.u32 s1, s0;
	v29 =	vld [tilespmem:s30+$0x19700];
	v52 =	vand.u32 $0x7FFFFFFF, v19;
	v28 =	vadd.f32 v10, v10;
	v30 =	vsub.f32 v9, v16  }
0x134: {  	v50 =	vld [tilespmem:s31+$0x19700];
	v13 =	vpop (erf);
	v15 =	vand.u32 $0x7FFFFFFF, v15;
	v25 =	vadd.f32 v46, v25;
	v19 =	vsub.f32 v17, v11  }
0x135: {  	v51 =	vsub.f32 v26, v9;
	v13 =	vmul.f32 v13, v22;
	v24 =	vand.u32 $0x7FFFFFFF, v24  }
0x136: {  	v22 =	vand.u32 $0x7FFFFFFF, v21;
	v28 =	vsub.f32 v31, v28;
	v19 =	vand.u32 $0x7FFFFFFF, v19  }
0x137: {  	v18 =	vpop (erf);
	v31 =	vand.u32 $0x7FFFFFFF, v30;
	v55 =	vand.u32 $0x7FFFFFFF, v51;
	v58 =	vadd.f32 v13, v13  }
0x138: {  	v53 =	vmul.f32 v18, v14;
	v18 =	vmul.f32 v29, v0;
	v33 =	vadd.f32 v55, v15  }
0x139: {  	v14 =	vmul.f32 v50, v0;
	v29 =	vsub.f32 v11, v12;
	v27 =	vsub.f32 v27, v58  }
0x13a: {  	v30 =	vadd.f32 v53, v13;
	v54 =	vpop (erf);
	v56 =	vtrunc.f32 v18;
	vm12 =	vgt.f32 v33, $1.000009980e-14  }
0x13b: {  	v21 =	vmul.f32 v54, v25;
	v25 =	vtrunc.f32 v14;
	v33 =	vnsel vm12, $0x3F800000, v55  }
0x13c: {  	v61 =	vcvt.f32.s32 v56;
	v57 =	vsub.f32 v30, v20;
	v20 =	vcvt.f32.s32 v25  }
0x13d: {  	v15 =	vnsel vm12, $0x3F800000, v15;
	v25 =	vadd.f32 v19, v24;
	v30 =	vadd.f32 v52, v31  }
0x13e: {  	v38 =	vmul.f32 v15, v9;
	v59 =	vadd.f32 v21, v10;
	vm13 =	vgt.s32 v20, $0x0  }
0x13f: {  	v60 =	vsub.f32 v28, v21;
	vm3 =	vgt.s32 v61, $0x0;
	v20 =	vnsel vm13, $0x0, v20  }
0x140: {  	vm14 =	vgt.f32 v25, $1.000009980e-14;
	vm15 =	vgt.f32 v30, $1.000009980e-14;
	v21 =	vmin.u32 v20, $0x1869E  }
0x141: {  	v32 =	vnsel vm3, $0x0, v61;
	v20 =	vnsel vm14, $0x3F800000, v19;
	v19 =	vadd.s32 $0x1, v21  }
0x142: {  	v63 =	vmul.f32 v57, v3;
	v23 =	vsub.f32 v59, v23;
	v25 =	vadd.s32 $0x4, v21  }
0x143: {  	v35 =	vnsel vm14, $0x3F800000, v24;
	v31 =	vnsel vm15, $0x3F800000, v31;
	v32 =	vmin.u32 v32, $0x1869E  }
0x144: {  	v24 =	vsub.f32 v27, v53;
	v62 =	vadd.s32 $0x5, v21;
	v23 =	vmul.f32 v23, v4  }
0x145: {  	v39 =	vadd.s32 $0x1, v32;
	v36 =	vadd.s32 $0x2, v32;
	v41 =	vadd.s32 $0x4, v32;
	v40 =	vld.idx.msk [tilespmem:v21+s2+$0x0], $0xffff  }
0x146: {  	v42 =	vadd.s32 $0x5, v32;
	v30 =	vadd.s32 $0x2, v21;
	v45 =	vadd.f32 v23, v60;
	v27 =	vld.idx.msk [tilespmem:v19+s2+$0x0], $0xffff  }
0x147: {  	s22 =	sadd.s32 s24, s4;
	v28 =	vadd.s32 $0x3, v21;
	v46 =	vadd.f32 v63, v24;
	v23 =	vld.idx.msk [tilespmem:v25+s2+$0x0], $0xffff;
	v25 =	vadd.f32 v15, v33  }
0x148: {  	s14 =	simm.s32 $0x6;
	s13 =	simm.s32 $0x40;
	s8 =	simm.s32 $0x7;
	v43 =	vadd.f32 v35, v20;
	v34 =	vld.idx.msk [tilespmem:v32+s2+$0x0], $0xffff;
	v24 =	vmul.f32 v45, v4;
	v19 =	vmul.f32 v31, v26  }
0x149: {  	s3 =	simm.s32 $0x4;
	s0 =	sadd.s32 $0x10, s22;
	s1 =	simm.s32 $0x50;
	v37 =	vld.idx.msk [tilespmem:v62+s2+$0x0], $0xffff;
	v26 =	vnsel vm15, $0x3F800000, v52;
	v15 =	vmovc v9;
	(erf) = vrcp.f32 v25;
	v25 =	vmul.f32 v46, v3  }
.LBB2_5:
0x14a: {  	s7 =	smulhi.u32 $0x4EC4EC4F, s14;
	v29 =	vand.u32 $0x7FFFFFFF, v29;
	v16 =	vmul.f32 v33, v16;
	v10 =	vadd.f32 v24, v10;
	s12 =	smov.u32 s3;
	s3 =	sadd.s32 $0x2, s3  }
0x14b: {  	s15 =	smulhi.u32 $0x4EC4EC4F, s8;
	p0 =	slt.u32 s3, $0xCE;
	v24 =	vld.idx.msk [tilespmem:v42+s2+$0x0], $0xffff;
	v33 =	vadd.f32 v22, v29;
	(erf) = vrcp.f32 v43;
	v13 =	vadd.f32 v25, v13  }
0x14c: {  	v35 =	vmul.f32 v35, v11;
	v40 =	vsub.f32 v27, v40;
	s7 =	sshrl.u32 s7, $0x2;
	v25 =	vld.idx.msk [tilespmem:v41+s2+$0x0], $0xffff;
	v10 =	vmul.f32 v10, v4  }
0x14d: {  	s15 =	sshrl.u32 s15, $0x2;
	v41 =	vadd.s32 $0x3, v32;
	v4 =	vmovc v8;
	s7 =	smul.u32 $0xD0, s7;
	v39 =	vld.idx.msk [tilespmem:v39+s2+$0x0], $0xffff;
	vm0 =	vgt.f32 v33, $1.000009980e-14;
	v13 =	vmul.f32 v13, v3;
	v3 =	vmovc v7  }
0x14e: {  	s1 =	sadd.s32 $0x20, s1;
	s13 =	sadd.s32 $0x20, s13;
	s15 =	smul.u32 $0xD0, s15;
	v7 =	vnsel vm0, $0x3F800000, v22;
	v8 =	vnsel vm0, $0x3F800000, v29;
	v10 =	vadd.f32 v10, v1;
	v1 =	vmovc v5;
	v5 =	vld.idx.msk [tilespmem:v30+s2+$0x0], $0xffff  }
0x14f: {  	s12 =	smul.u32 $0x4F, s12;
	s7 =	ssub.s32 s13, s7;
	v22 =	vld.idx.msk [tilespmem:v36+s2+$0x0], $0xffff;
	v29 =	vmul.f32 v7, v11;
	v7 =	vadd.f32 v8, v7;
	v13 =	vadd.f32 v13, v2  }
0x150: {  	v30 =	vcvt.s32.f32 v32;
	s15 =	ssub.s32 s1, s15;
	v8 =	vmul.f32 v8, v17;
	v17 =	vadd.f32 v31, v26;
	v2 =	vmovc v6;
	p2 =	slt.s32 s7, $0xB8;
	[tilespmem:s25+$0x1B700] =	vst v10;
	s25 =	smov.u32 s29  }
0x151: {  	s20 =	sadd.s32 $0x9E, s12;
	v31 =	vsub.f32 v37, v23;
	v6 =	vadd.f32 v38, v16;
	s7 =	simm.s32 @!p2 $0xB8;
	p2 =	slt.s32 s15, $0xB8;
	v28 =	vld.idx.msk [tilespmem:v28+s2+$0x0], $0xffff;
	(erf) = vrcp.f32 v7;
	[tilespmem:s26+$0x1B700] =	vst v13  }
0x152: {  	v10 =	vcvt.s32.f32 v21;
	s26 =	sshrl.u32 s20, $0x3;
	v7 =	vsub.f32 v18, v30;
	v18 =	vadd.f32 v8, v29;
	s21 =	sshll.u32 s7, $0x3;
	s15 =	simm.s32 @!p2 $0xB8;
	v13 =	vld.idx.msk [tilespmem:v41+s2+$0x0], $0xffff;
	v21 =	vpop (erf)  }
0x153: {  	v24 =	vsub.f32 v24, v25;
	s26 =	sand.u32 $0x380, s26;
	v29 =	vsub.f32 v39, v34;
	s21 =	sand.u32 $0xFFFFFC00, s21;
	s29 =	sshll.u32 s15, $0x3;
	(erf) = vrcp.f32 v17  }
0x154: {  	s12 =	sadd.s32 $0xED, s12;
	s20 =	sshrl.u32 s20, $0x2;
	v8 =	vsub.f32 v14, v10;
	v14 =	vmul.f32 v20, v12;
	v16 =	vsub.f32 v5, v27;
	s29 =	sand.u32 $0xFFFFFC00, s29;
	v20 =	vpop (erf)  }
0x155: {  	s22 =	sshrl.u32 s12, $0x3;
	s7 =	sand.u32 $0x78, s7;
	s20 =	sand.u32 $0x1800, s20;
	v10 =	vmul.f32 v21, v6;
	v27 =	vadd.f32 v15, v9;
	v12 =	vsub.f32 v22, v39;
	v6 =	vmovc v22  }
0x156: {  	s12 =	sshrl.u32 s12, $0x2;
	v30 =	vadd.f32 v11, v11;
	s15 =	sand.u32 $0x78, s15;
	s20 =	sadd.s32 s20, s21;
	v21 =	vsub.f32 v16, v40  }
0x157: {  	s12 =	sand.u32 $0x1800, s12;
	v14 =	vadd.f32 v35, v14;
	s20 =	sor.u32 s26, s20;
	s26 =	smov.u32 s28;
	v34 =	vsub.f32 v23, v28  }
0x158: {  	v22 =	vmul.f32 v26, v9;
	s12 =	sadd.s32 s12, s29;
	s7 =	sor.u32 s7, s20;
	s20 =	sand.u32 $0x380, s22;
	v15 =	vsub.f32 v28, v5;
	v23 =	vadd.f32 v10, v10  }
0x159: {  	s28 =	smov.u32 s30;
	v28 =	vmul.f32 $3.000000000e+00, v11;
	s12 =	sor.u32 s20, s12;
	v17 =	vsub.f32 v25, v13;
	s30 =	smov.u32 s7;
	v25 =	vsub.f32 v31, v34;
	v26 =	vld [tilespmem:s7+$0x19700]  }
0x15a: {  	s29 =	smov.u32 s31;
	v19 =	vadd.f32 v19, v22;
	v22 =	vmul.f32 $3.000000000e+00, v9;
	v31 =	vsub.f32 v15, v16;
	s31 =	sor.u32 s15, s12;
	v32 =	vpop (erf)  }
0x15b: {  	v29 =	vsub.f32 v12, v29;
	v11 =	vsub.f32 v13, v6;
	v36 =	vand.u32 $0x7FFFFFFF, v21;
	v9 =	vmovc v15;
	v33 =	vld [tilespmem:s31+$0x19700]  }
0x15c: {  	v13 =	vmul.f32 v20, v14;
	v21 =	vsub.f32 v34, v9;
	v25 =	vand.u32 $0x7FFFFFFF, v25;
	v20 =	vpop (erf)  }
0x15d: {  	v14 =	vsub.f32 v17, v11;
	v24 =	vsub.f32 v24, v17;
	v37 =	vmul.f32 v32, v18  }
0x15e: {  	v23 =	vsub.f32 v22, v23;
	v18 =	vmul.f32 v26, v0;
	v26 =	vand.u32 $0x7FFFFFFF, v29  }
0x15f: {  	v31 =	vand.u32 $0x7FFFFFFF, v31;
	v32 =	vand.u32 $0x7FFFFFFF, v14;
	v35 =	vadd.f32 v37, v13  }
0x160: {  	v21 =	vand.u32 $0x7FFFFFFF, v21;
	v29 =	vsub.f32 v11, v12;
	v14 =	vmul.f32 v33, v0  }
0x161: {  	v22 =	vand.u32 $0x7FFFFFFF, v24;
	v19 =	vmul.f32 v20, v19;
	v38 =	vtrunc.f32 v18  }
0x162: {  	v24 =	vadd.f32 v21, v36;
	v40 =	vsub.f32 v35, v30;
	v20 =	vtrunc.f32 v14  }
0x163: {  	v30 =	vadd.f32 v32, v26;
	v35 =	vadd.f32 v13, v13;
	v20 =	vcvt.f32.s32 v20  }
0x164: {  	vm1 =	vgt.f32 v24, $1.000009980e-14;
	v24 =	vadd.f32 v25, v31;
	v39 =	vadd.f32 v19, v10  }
0x165: {  	v19 =	vsub.f32 v23, v19;
	v33 =	vnsel vm1, $0x3F800000, v21;
	vm0 =	vgt.s32 v20, $0x0  }
0x166: {  	v23 =	vcvt.f32.s32 v38;
	vm2 =	vgt.f32 v30, $1.000009980e-14;
	v20 =	vnsel vm0, $0x0, v20  }
0x167: {  	vm0 =	vgt.f32 v24, $1.000009980e-14;
	v21 =	vmin.u32 v20, $0x1869E;
	v20 =	vnsel vm2, $0x3F800000, v32  }
0x168: {  	v27 =	vsub.f32 v39, v27;
	v24 =	vadd.s32 $0x1, v21;
	v30 =	vadd.s32 $0x2, v21  }
0x169: {  	v39 =	vsub.f32 v28, v35;
	v38 =	vadd.s32 $0x4, v21;
	v43 =	vadd.s32 $0x5, v21  }
0x16a: {  	vm3 =	vgt.s32 v23, $0x0;
	v44 =	vmul.f32 v27, v4;
	v28 =	vadd.s32 $0x3, v21  }
0x16b: {  	v35 =	vnsel vm2, $0x3F800000, v26;
	v23 =	vnsel vm3, $0x0, v23;
	v31 =	vnsel vm0, $0x3F800000, v31  }
0x16c: {  	v26 =	vnsel vm1, $0x3F800000, v36;
	v37 =	vsub.f32 v39, v37;
	v32 =	vmin.u32 v23, $0x1869E  }
.Ltmp1:
0x16d: {  	v39 =	vadd.s32 $0x1, v32;
	v36 =	vadd.s32 $0x2, v32;
	v27 =	vld.idx.msk [tilespmem:v24+s2+$0x0], $0xffff;
	v24 =	vmul.f32 v40, v3;
	(pc) =	sbr.rel @p0 .LBB2_5-.Ltmp1, $4  }
0x16e: {  	v44 =	vadd.f32 v44, v19;
	v41 =	vadd.s32 $0x4, v32;
	v42 =	vadd.s32 $0x5, v32;
	v40 =	vld.idx.msk [tilespmem:v21+s2+$0x0], $0xffff  }
0x16f: {  	v45 =	vadd.f32 v26, v33;
	v19 =	vmul.f32 v31, v34;
	v23 =	vld.idx.msk [tilespmem:v38+s2+$0x0], $0xffff;
	v46 =	vadd.f32 v24, v37  }
0x170: {  	v38 =	vmul.f32 v26, v9;
	v24 =	vmul.f32 v44, v4;
	v37 =	vld.idx.msk [tilespmem:v43+s2+$0x0], $0xffff;
	v43 =	vadd.f32 v35, v20  }
0x171: {  	s14 =	sadd.s32 $0x2, s14;
	s8 =	sadd.s32 $0x2, s8;
	v26 =	vnsel vm0, $0x3F800000, v25;
	v34 =	vld.idx.msk [tilespmem:v32+s2+$0x0], $0xffff;
	(erf) = vrcp.f32 v45;
	v25 =	vmul.f32 v46, v3  }
0x172: {  	_ =	sdelay $0x2  }
0x173: {  	v29 =	vand.u32 $0x7FFFFFFF, v29;
	v63 =	vadd.s32 $0x3, v32;
	v33 =	vmul.f32 v33, v16  }
0x174: {  	v42 =	vld.idx.msk [tilespmem:v42+s2+$0x0], $0xffff;
	v51 =	vcvt.s32.f32 v32;
	v31 =	vadd.f32 v31, v26;
	v35 =	vmul.f32 v35, v11  }
0x175: {  	v16 =	vld.idx.msk [tilespmem:v30+s2+$0x0], $0xffff;
	v12 =	vmul.f32 v20, v12;
	v30 =	vadd.f32 v11, v11;
	v21 =	vcvt.s32.f32 v21  }
0x176: {  	v39 =	vld.idx.msk [tilespmem:v39+s2+$0x0], $0xffff;
	v57 =	vmul.f32 v26, v9;
	v44 =	vadd.f32 v22, v29;
	v48 =	vsub.f32 v27, v40  }
0x177: {  	v41 =	vld.idx.msk [tilespmem:v41+s2+$0x0], $0xffff;
	(erf) = vrcp.f32 v43;
	v33 =	vadd.f32 v38, v33;
	v12 =	vadd.f32 v35, v12  }
0x178: {  	v28 =	vld.idx.msk [tilespmem:v28+s2+$0x0], $0xffff;
	v19 =	vadd.f32 v19, v57;
	v14 =	vsub.f32 v14, v21;
	vm0 =	vgt.f32 v44, $1.000009980e-14  }
0x179: {  	v57 =	vadd.f32 v15, v9;
	v45 =	vnsel vm0, $0x3F800000, v22;
	v29 =	vnsel vm0, $0x3F800000, v29  }
0x17a: {  	v52 =	vsub.f32 v37, v23;
	v49 =	vmul.f32 v29, v17;
	v29 =	vadd.f32 v29, v45  }
0x17b: {  	v22 =	vld.idx.msk [tilespmem:v36+s2+$0x0], $0xffff;
	v17 =	vsub.f32 v18, v51;
	v34 =	vsub.f32 v39, v34  }
0x17c: {  	v50 =	vmul.f32 v45, v11;
	v27 =	vsub.f32 v16, v27;
	v54 =	vsub.f32 v42, v41  }
0x17d: {  	v53 =	vld.idx.msk [tilespmem:v63+s2+$0x0], $0xffff;
	v23 =	vsub.f32 v23, v28;
	v28 =	vsub.f32 v28, v16  }
0x17e: {  	v36 =	vadd.f32 v49, v50;
	v55 =	vsub.f32 v27, v48  }
0x17f: {  	(erf) = vrcp.f32 v29;
	v32 =	vsub.f32 v52, v23;
	v59 =	vsub.f32 v23, v28  }
0x180: {  	v58 =	vsub.f32 v28, v27;
	v56 =	vpop (erf);
	(erf) = vrcp.f32 v31;
	v20 =	vsub.f32 v22, v39  }
0x181: {  	v29 =	vand.u32 $0x7FFFFFFF, v55;
	v32 =	vand.u32 $0x7FFFFFFF, v32;
	v38 =	vand.u32 $0x7FFFFFFF, v59  }
0x182: {  	v35 =	vand.u32 $0x7FFFFFFF, v58;
	v31 =	vsub.f32 v41, v53;
	v18 =	vsub.f32 v53, v22  }
0x183: {  	v33 =	vmul.f32 v56, v33;
	v61 =	vpop (erf);
	v62 =	vadd.f32 v38, v29;
	v46 =	vadd.f32 v32, v35  }
0x184: {  	v12 =	vmul.f32 v61, v12;
	v34 =	vsub.f32 v20, v34;
	v60 =	vsub.f32 v31, v18  }
0x185: {  	v37 =	vsub.f32 v54, v31;
	v63 =	vsub.f32 v18, v20;
	vm13 =	vgt.f32 v62, $1.000009980e-14  }
0x186: {  	vm14 =	vgt.f32 v46, $1.000009980e-14;
	v34 =	vand.u32 $0x7FFFFFFF, v34;
	v39 =	vand.u32 $0x7FFFFFFF, v60  }
0x187: {  	v37 =	vand.u32 $0x7FFFFFFF, v37;
	v40 =	vand.u32 $0x7FFFFFFF, v63;
	v45 =	vadd.f32 v39, v34  }
0x188: {  	v38 =	vnsel vm13, $0x3F800000, v38;
	v29 =	vnsel vm13, $0x3F800000, v29;
	v47 =	vadd.f32 v37, v40  }
0x189: {  	v35 =	vnsel vm14, $0x3F800000, v35;
	v48 =	vadd.f32 v29, v38;
	vm1 =	vgt.f32 v45, $1.000009980e-14  }
0x18a: {  	vm15 =	vgt.f32 v47, $1.000009980e-14;
	v39 =	vnsel vm1, $0x3F800000, v39;
	v34 =	vnsel vm1, $0x3F800000, v34  }
0x18b: {  	v37 =	vnsel vm15, $0x3F800000, v37;
	v40 =	vnsel vm15, $0x3F800000, v40;
	v49 =	vadd.f32 v34, v39  }
0x18c: {  	v32 =	vnsel vm14, $0x3F800000, v32;
	(erf) = vrcp.f32 v48;
	v51 =	vadd.f32 v40, v37  }
0x18d: {  	v61 =	vmul.f32 $3.000000000e+00, v11;
	v52 =	vadd.f32 v35, v32;
	v50 =	vpop (erf);
	(erf) = vrcp.f32 v49  }
0x18e: {  	v53 =	vadd.f32 v33, v33;
	v54 =	vmul.f32 $3.000000000e+00, v9;
	(erf) = vrcp.f32 v51  }
0x18f: {  	v62 =	vadd.f32 v12, v12;
	v41 =	vmul.f32 v35, v23;
	v55 =	vpop (erf);
	(erf) = vrcp.f32 v52  }
0x190: {  	v59 =	vsub.f32 v54, v53;
	v42 =	vmul.f32 v29, v28;
	v43 =	vmul.f32 v38, v27  }
0x191: {  	v11 =	vsub.f32 v61, v62;
	v32 =	vmul.f32 v32, v28;
	v36 =	vmul.f32 v50, v36  }
0x192: {  	v23 =	vadd.f32 v42, v43;
	v50 =	vadd.f32 v28, v28;
	v58 =	vmul.f32 v55, v19  }
0x193: {  	v56 =	vadd.f32 v36, v12;
	v44 =	vmul.f32 v34, v18;
	v46 =	vmul.f32 v37, v18  }
0x194: {  	v19 =	vadd.f32 v41, v32;
	v31 =	vmul.f32 v40, v31;
	v20 =	vmul.f32 v39, v20  }
0x195: {  	v63 =	vadd.f32 v58, v33;
	v60 =	vsub.f32 v56, v30;
	v45 =	vpop (erf)  }
0x196: {  	v30 =	vadd.f32 v31, v46;
	v20 =	vadd.f32 v44, v20;
	v47 =	vpop (erf)  }
0x197: {  	v11 =	vsub.f32 v11, v36;
	v15 =	vsub.f32 v59, v58;
	v48 =	vpop (erf)  }
0x198: {  	v9 =	vsub.f32 v63, v57;
	v20 =	vmul.f32 v47, v20;
	v49 =	vpop (erf);
	v26 =	vmul.f32 v48, v30  }
0x199: {  	v51 =	vadd.f32 v18, v18;
	v23 =	vmul.f32 v45, v23;
	v19 =	vmul.f32 v49, v19  }
0x19a: {  	v18 =	vmul.f32 $3.000000000e+00, v18;
	v34 =	vadd.f32 v20, v20;
	v54 =	vadd.f32 v26, v20  }
0x19b: {  	v28 =	vmul.f32 $3.000000000e+00, v28;
	v52 =	vadd.f32 v23, v23;
	v53 =	vadd.f32 v19, v23  }
0x19c: {  	v21 =	vmul.f32 v60, v7;
	v18 =	vsub.f32 v18, v34;
	v27 =	vsub.f32 v54, v51  }
0x19d: {  	v9 =	vmul.f32 v9, v8;
	v28 =	vsub.f32 v28, v52;
	v29 =	vsub.f32 v53, v50  }
0x19e: {  	v11 =	vadd.f32 v21, v11;
	v18 =	vsub.f32 v18, v26;
	v57 =	vmul.f32 v27, v17  }
0x19f: {  	v9 =	vadd.f32 v9, v15;
	v55 =	vsub.f32 v28, v19;
	v56 =	vmul.f32 v29, v14  }
0x1a0: {  	v13 =	vadd.f32 v25, v13;
	v11 =	vmul.f32 v11, v7;
	v18 =	vadd.f32 v57, v18  }
0x1a1: {  	v10 =	vadd.f32 v24, v10;
	v9 =	vmul.f32 v9, v8;
	v15 =	vadd.f32 v56, v55  }
0x1a2: {  	v3 =	vmul.f32 v13, v3;
	v11 =	vadd.f32 v11, v12;
	v59 =	vmul.f32 v18, v17  }
0x1a3: {  	v4 =	vmul.f32 v10, v4;
	v9 =	vadd.f32 v9, v33;
	v58 =	vmul.f32 v15, v14  }
0x1a4: {  	v2 =	vadd.f32 v3, v2;
	v3 =	vmul.f32 v11, v7;
	v62 =	vadd.f32 v59, v20  }
0x1a5: {  	v1 =	vadd.f32 v4, v1;
	v60 =	vmul.f32 v9, v8;
	v61 =	vadd.f32 v58, v23  }
0x1a6: {  	[tilespmem:s26+$0x1B700] =	vst v2;
	v2 =	vadd.f32 v3, v6;
	v3 =	vmul.f32 v62, v17  }
0x1a7: {  	[tilespmem:s25+$0x1B700] =	vst v1;
	v1 =	vadd.f32 v60, v5;
	v63 =	vmul.f32 v61, v14  }
0x1a8: {  	s23 =	sadd.s32 $0x1, s23;
	[tilespmem:s28+$0x1B700] =	vst v2;
	v2 =	vadd.f32 v3, v22  }
0x1a9: {  	s1 =	sadd.s32 @!p1 s24, s11;
	p0 =	sne.s32 s23, $0x10;
	[tilespmem:s29+$0x1B700] =	vst v1;
	v1 =	vadd.f32 v63, v16  }
.Ltmp2:
0x1aa: {  	s3 =	simm.s32 @!p1 $0x0;
	s1 =	sshll.u32 @!p1 s1, $0x5;
	[tilespmem:s30+$0x1B700] =	vst v2;
	(pc) =	sbr.rel @p0 .LBB2_2-.Ltmp2, $4  }
0x1ab: {  	s7 =	simm.s32 @!p1 $0x19700;
	s0 =	sshll.u32 s0, $0x5;
	s1 =	sadd.s32 @!p1 s5, s1;
	[tilespmem:s31+$0x1B700] =	vst v1  }
0x1ac: {  	[tilespmem:s7], [sflag:$0x3] =	stream.linear.gather @!p1 [hbm4b:s1+s3], $0x1000, $0x38;
	[tilespmem:$0x1C700] =	vst v63  }
0x1ad: {  	s0 =	sadd.s32 s6, s0  }
0x1ae: {  	[hbm4b:s0+s2] =	stream.linear.scatter [tilespmem:s19], [sflag:$0x5], $0x1000, $0x38;
	[tilespmem:$0x1C700] =	vst v63  }
0x1af: {  	s0 =	simm.s32 $0x4  }
0x1b0: {  	_ =	swait.ge [sflag:s0], $0x1000  }
0x1b1: {  	[sflag:s0] =	ssyncset.done $0x0  }
0x1b2: {  	s1 =	simm.s32 $0x5;
	[sflag:s0] =	ssyncadd.s32 $0xFFFFF000  }
0x1b3: {  	_ =	swait.ge [sflag:s1], $0x1000  }
0x1b4: {  	s3 =	rddreg [dreg:$0x6]  }
0x1b5: {  	s31 =	rddreg [dreg:$0x5];
	s3 =	sadd.s32 $0x1, s3  }
0x1b6: {  	p0 =	sne.s32 s3, s31  }
.Ltmp3:
0x1b7: {  	_ = 	snop;
	(pc) =	sbr.rel @p0 .LBB2_1-.Ltmp3, $3  }
0x1b8: {  	_ =	sdelay $0x1  }
0x1b9: {  	[sflag:s1] =	ssyncset.done $0x0  }
0x1ba: {  	[sflag:s1] =	ssyncadd.s32 $0xFFFFF000  }
0x1bb: {  	_ =	sfence.sel $0x180000  }
0x1bc: {  	[bflag:$0x0] =	sbarrier.arrive $0xFFFF  }
0x1bd: {  	_ =	strace $0x90000047  }
0x1be: {  	s0 =	stileid.u32;
	[bflag:$0x2] =	sbarrier.arrive $0xFFFF  }
0x1bf: {  	p0 =	sne.s32 s0, $0x0;
	s0 =	rddreg [dreg:$0x2]  }
0x1c0: {  	s0 =	sadd.s32 @!p0 $0x100000, s0  }
0x1c1: {  	[sflag:s0] =	ssyncadd.tile.s32 @!p0 $0x1;
	_ =	shalt  }
.Lfunc_end2:
_tile_overlayer_lowered:
.L_overlay_start_2:
0x1c2: {  	(tag) =	ssettag $0x2  }
0x1c3: {  	s0 =	rddreg [dreg:$0x0];
	s2 =	stileid.u32  }
0x1c4: {  	s1 =	rddreg [dreg:$0x1];
	p0 =	sne.s32 s2, $0x0  }
0x1c5: {  	s3 =	rddreg [dreg:$0x2];
	[bflag:$0x3] =	sbarrier.arrive $0xFFFF;
	s2 =	simm.s32 @!p0 $0x1C06  }
0x1c6: {  	[timem:s3], [sflag:s2] =	dma.local @!p0 [hbm:s0], s1  }
0x1c7: {  	s0 =	simm.s32 @!p0 $0x6  }
0x1c8: {  	_ =	swait.ge @!p0 [sflag:s0], s1  }
0x1c9: {  	s1 =	ssub.s32 @!p0 $0x0, s1;
	[sflag:s0] =	ssyncset.done @!p0 $0x0  }
0x1ca: {  	[sflag:s0] =	ssyncadd.s32 @!p0 s1  }
0x1cb: {  	[bflag:$0x3] =	sbarrier.arrive $0xFFFF  }
0x1cc: {  	_ =	shalt  }

</sc_bundles>
